<compile_context>
chip_gen: v7x
topology: tpu7x:2x2x1
jax: 0.10.2.dev20260603
libtpu: 0.0.44.dev20260713+nightly
codegen_flags: <defaults>
</compile_context>

<pallas_src>
import functools

import jax
import jax.numpy as jnp
from jax import lax
from jax.experimental import pallas as pl
from jax.experimental.pallas import tpu as pltpu
from jax.experimental.pallas import tpu_sc as plsc

F32 = jnp.float32
I32 = jnp.int32
HI = lax.Precision.HIGHEST

N1 = 34
RPAD = 1216
BS = 1024
SL = 200
NPOS = BS * SL
NW = 32

CH = 400
NCH = NPOS // (NW * CH)

BB = 32
NBLK = BS // BB


def _relfull_body(tab_ref, out_ref):
    tab = tab_ref[...]
    i = lax.broadcasted_iota(I32, (RPAD, RPAD), 0)
    j = lax.broadcasted_iota(I32, (RPAD, RPAD), 1)
    tr = jnp.maximum(i - N1, 0)
    r1 = tr // N1
    r2 = tr - r1 * N1
    s1 = (j == r1).astype(F32)
    s2 = (j == r2).astype(F32)
    two = (jnp.dot(s1, tab, preferred_element_type=F32, precision=HI)
           * jnp.dot(s2, tab, preferred_element_type=F32, precision=HI))
    row = lax.broadcasted_iota(I32, (RPAD, 1), 0)
    out_ref[...] = jnp.where(row < N1, tab, two)


def _build_rel_full(rel_table):
    tab = jnp.pad(rel_table, ((0, RPAD - rel_table.shape[0]), (0, 0)))
    return pl.pallas_call(
        _relfull_body,
        out_shape=jax.ShapeDtypeStruct((RPAD, 64), F32),
    )(tab)


def _sc_gather(ctab, q_idx, a_idx, rtab, rel_idx):
    mesh = plsc.VectorSubcoreMesh(core_axis_name="c", subcore_axis_name="s")

    @functools.partial(
        pl.kernel,
        mesh=mesh,
        out_type=(
            jax.ShapeDtypeStruct((NW * NCH, CH, 128), F32),
            jax.ShapeDtypeStruct((NW * NCH, CH, 128), F32),
        ),
        scratch_types=[
            pltpu.VMEM((4, CH // 4), I32),
            pltpu.VMEM((4, CH // 4), I32),
            pltpu.VMEM((CH, 64), F32),
            pltpu.VMEM((CH, 64), F32),
            pltpu.SemaphoreType.DMA,
            pltpu.SemaphoreType.DMA,
        ],
        compiler_params=pltpu.CompilerParams(use_tc_tiling_on_sc=False),
    )
    def k(ctab_h, q_idx_h, a_idx_h, rtab_h, rel_idx_h,
          qa_out, r_out, i_v0, i_v1, rows_v0, rows_v1, sem, sem_w):
        wid = lax.axis_index("s") * 2 + lax.axis_index("c")

        jobs = ((q_idx_h, qa_out, ctab_h, 0),
                (a_idx_h, qa_out, ctab_h, 64),
                (rel_idx_h, r_out, rtab_h, 0))
        for idx_h, out_h, tab_h, col in jobs:
            def body(i, carry, idx_h=idx_h, out_h=out_h, tab_h=tab_h,
                     col=col):
                ci0 = wid * NCH + 2 * i
                pltpu.sync_copy(idx_h.at[ci0], i_v0)
                cps0 = [
                    pltpu.async_copy(
                        tab_h.at[i_v0.at[j]],
                        rows_v0.at[pl.ds(j * (CH // 4), CH // 4)], sem)
                    for j in range(4)
                ]
                pltpu.sync_copy(idx_h.at[ci0 + 1], i_v1)
                for c in cps0:
                    c.wait()
                w0 = pltpu.async_copy(
                    rows_v0, out_h.at[ci0, :, pl.ds(col, 64)], sem_w)
                cps1 = [
                    pltpu.async_copy(
                        tab_h.at[i_v1.at[j]],
                        rows_v1.at[pl.ds(j * (CH // 4), CH // 4)], sem)
                    for j in range(4)
                ]
                for c in cps1:
                    c.wait()
                w1 = pltpu.async_copy(
                    rows_v1, out_h.at[ci0 + 1, :, pl.ds(col, 64)], sem_w)
                w0.wait()
                w1.wait()
                return carry

            lax.fori_loop(0, NCH // 2, body, 0)

    return k(ctab, q_idx, a_idx, rtab, rel_idx)


def _mlp_body(qa_ref, rel_ref, nt_ref, path_ref,
              w0qa_ref, w0r_ref, b0_ref, g0_ref, be0_ref,
              w1_ref, b1_ref,
              o0p_ref, o0q_ref, ob0_ref, og0_ref, obe0_ref, o1_ref, ob1_ref,
              out_ref):
    npos = BB * SL
    h = (jnp.dot(qa_ref[...], w0qa_ref[...], preferred_element_type=F32)
         + jnp.dot(rel_ref[:, :64], w0r_ref[...], preferred_element_type=F32)
         + b0_ref[...])
    mu = jnp.mean(h, axis=1, keepdims=True)
    var = jnp.mean((h - mu) * (h - mu), axis=1, keepdims=True)
    h = (h - mu) / jnp.sqrt(var + 1e-5) * g0_ref[...] + be0_ref[...]
    h = 0.5 * h * (1.0 + lax.erf(h * 0.7071067811865476))
    qars = (jnp.dot(h, w1_ref[...], preferred_element_type=F32)
            + b1_ref[...])

    nt = jnp.maximum(nt_ref[0], 1)
    s3 = lax.broadcasted_iota(I32, (BB, SL, 128), 1)
    q3 = jnp.where(s3 < nt[:, :, None], qars.reshape(BB, SL, 128), 0.0)
    pooled = q3.sum(axis=1) / nt.astype(F32)

    h2 = (jnp.dot(path_ref[...], o0p_ref[...], preferred_element_type=F32)
          + jnp.dot(pooled, o0q_ref[...], preferred_element_type=F32)
          + ob0_ref[...])
    mu2 = jnp.mean(h2, axis=1, keepdims=True)
    var2 = jnp.mean((h2 - mu2) * (h2 - mu2), axis=1, keepdims=True)
    h2 = (h2 - mu2) / jnp.sqrt(var2 + 1e-5) * og0_ref[...] + obe0_ref[...]
    h2 = 0.5 * h2 * (1.0 + lax.erf(h2 * 0.7071067811865476))
    out_ref[...] = (jnp.dot(h2, o1_ref[...], preferred_element_type=F32)
                    + ob1_ref[...])


def _fused_mlp(qa2, rel2, nt4, path, w0qa, w0r, b0, g0, be0, w1, b1,
               o0p, o0q, ob0, og0, obe0, o1, ob1):
    npos = BB * SL
    full = lambda shape: pl.BlockSpec(shape, lambda i: (0,) * len(shape))
    return pl.pallas_call(
        _mlp_body,
        grid=(NBLK,),
        in_specs=[
            pl.BlockSpec((npos, 128), lambda i: (i, 0)),
            pl.BlockSpec((npos, 128), lambda i: (i, 0)),
            pl.BlockSpec((1, BB, 1), lambda i: (i, 0, 0)),
            pl.BlockSpec((BB, 768), lambda i: (i, 0)),
            full((128, 256)), full((64, 256)),
            full((1, 256)), full((1, 256)), full((1, 256)),
            full((256, 128)), full((1, 128)),
            full((768, 256)), full((128, 256)), full((1, 256)),
            full((1, 256)), full((1, 256)), full((256, 128)), full((1, 128)),
        ],
        out_specs=pl.BlockSpec((BB, 128), lambda i: (i, 0)),
        out_shape=jax.ShapeDtypeStruct((BS, 128), F32),
        compiler_params=pltpu.CompilerParams(
            dimension_semantics=("arbitrary",)),
    )(qa2, rel2, nt4, path, w0qa, w0r, b0, g0, be0, w1, b1,
      o0p, o0q, ob0, og0, obe0, o1, ob1)


def kernel(path_embedding, sent_vecs, qa_ids, rel_ids, num_tuples,
           concept_table, rel_table,
           mlp_W0, mlp_b0, mlp_g0, mlp_be0, mlp_W1, mlp_b1,
           out_W0, out_b0, out_g0, out_be0, out_W1, out_b1):
    qa = qa_ids.astype(I32)
    q_idx = qa[:, :, 0].reshape(NW * NCH, 4, CH // 4)
    a_idx = qa[:, :, 1].reshape(NW * NCH, 4, CH // 4)
    rel_idx = rel_ids.astype(I32).reshape(NW * NCH, 4, CH // 4)
    nt4 = num_tuples.astype(I32).reshape(NBLK, BB, 1)

    rel_full = _build_rel_full(rel_table)
    qa_rows, rel_rows = _sc_gather(concept_table, q_idx, a_idx,
                                   rel_full, rel_idx)
    qa2 = qa_rows.reshape(NPOS, 128)
    rel2 = rel_rows.reshape(NPOS, 128)

    r2 = lambda v: v.reshape(1, -1)
    return _fused_mlp(
        qa2, rel2, nt4, path_embedding,
        mlp_W0[:128], mlp_W0[128:],
        r2(mlp_b0), r2(mlp_g0), r2(mlp_be0),
        mlp_W1, r2(mlp_b1),
        out_W0[:768], out_W0[768:], r2(out_b0), r2(out_g0), r2(out_be0),
        out_W1, r2(out_b1))

# --- scband reference (transcript-rebuilt; emitter-appended) ---
"""Pipeline reference for scband-prompt-kgencoder-43439299232228 (READ-ONLY COPY).

The authoritative reference and input builder live on the scoring server;
editing this copy changes nothing except your own understanding.
"""

import jax, jax.numpy as jnp
import numpy as np

CONCEPT_NUM = 1000000
CONCEPT_DIM = 64
RELATION_NUM = 1190
RELATION_DIM = 64
HIDDEN = 128
PATH_DIM = 768
OUT = 128
FC = 256
BS = 1024
SL = 200
SENT_DIM = 1024


def _mlp(x, W0, b0, g0, be0, W1, b1):
    # Linear -> Dropout(eval, identity) -> LayerNorm -> GELU -> Linear
    h = x @ W0 + b0
    mu = h.mean(-1, keepdims=True)
    var = h.var(-1, keepdims=True)
    h = (h - mu) / jnp.sqrt(var + 1e-5) * g0 + be0
    h = jax.nn.gelu(h, approximate=False)
    return h @ W1 + b1


def setup_inputs(seed: int = 0):
    key = jax.random.key(seed)
    ks = jax.random.split(key, 12)
    enc = 2 * CONCEPT_DIM + RELATION_DIM
    inp = {}
    inp["path_embedding"] = jax.random.normal(ks[0], (BS, PATH_DIM), dtype=jnp.float32)
    inp["sent_vecs"] = jax.random.normal(ks[1], (BS, SENT_DIM), dtype=jnp.float32)
    inp["qa_ids"] = jax.random.randint(ks[2], (BS, SL, 2), 0, CONCEPT_NUM)
    inp["rel_ids"] = jax.random.randint(ks[3], (BS, SL), 0, RELATION_NUM)
    inp["num_tuples"] = jax.random.randint(ks[4], (BS,), 0, SL)
    inp["concept_table"] = jax.random.normal(ks[5], (CONCEPT_NUM, CONCEPT_DIM), dtype=jnp.float32) * 0.02
    inp["rel_table"] = jax.random.normal(ks[6], (RELATION_NUM, RELATION_DIM), dtype=jnp.float32) * 0.02
    inp["mlp_W0"] = jax.random.normal(ks[7], (enc, 2 * HIDDEN), dtype=jnp.float32) * 0.02
    inp["mlp_b0"] = jnp.zeros((2 * HIDDEN,), dtype=jnp.float32)
    inp["mlp_g0"] = jnp.ones((2 * HIDDEN,), dtype=jnp.float32)
    inp["mlp_be0"] = jnp.zeros((2 * HIDDEN,), dtype=jnp.float32)
    inp["mlp_W1"] = jax.random.normal(ks[8], (2 * HIDDEN, HIDDEN), dtype=jnp.float32) * 0.02
    inp["mlp_b1"] = jnp.zeros((HIDDEN,), dtype=jnp.float32)
    inp["out_W0"] = jax.random.normal(ks[9], (PATH_DIM + HIDDEN, FC), dtype=jnp.float32) * 0.02
    inp["out_b0"] = jnp.zeros((FC,), dtype=jnp.float32)
    inp["out_g0"] = jnp.ones((FC,), dtype=jnp.float32)
    inp["out_be0"] = jnp.zeros((FC,), dtype=jnp.float32)
    inp["out_W1"] = jax.random.normal(ks[10], (FC, OUT), dtype=jnp.float32) * 0.02
    inp["out_b1"] = jnp.zeros((OUT,), dtype=jnp.float32)
    return inp


def reference(path_embedding, sent_vecs, qa_ids, rel_ids, num_tuples,
              concept_table, rel_table,
              mlp_W0, mlp_b0, mlp_g0, mlp_be0, mlp_W1, mlp_b1,
              out_W0, out_b0, out_g0, out_be0, out_W1, out_b1):
    bs, sl, _ = qa_ids.shape
    # padding mask (True = pad); if a row is fully padded, unmask position 0
    mask = jnp.arange(sl)[None, :] >= num_tuples[:, None]
    all_masked = jnp.all(mask, axis=1)
    mask = mask.at[:, 0].set(jnp.where(all_masked, False, mask[:, 0]))
    # concept embedding lookup (CustomizedEmbedding, in_dim == out_dim, scale=1.0)
    qa_emb = jnp.take(concept_table, qa_ids.reshape(bs, -1), axis=0).reshape(bs, sl, -1)
    # relation embedding with 2-hop factorization rel = r1 * n1 + r2 + n1
    flat_rel = rel_ids.reshape(bs * sl)
    n1 = int(np.sqrt(RELATION_NUM))
    assert n1 * (n1 + 1) == RELATION_NUM
    twohop = flat_rel >= n1
    tr = jnp.where(twohop, flat_rel - n1, 0)
    r1 = tr // n1
    r2 = tr % n1
    base = jnp.take(rel_table, flat_rel, axis=0)
    two = jnp.take(rel_table, r1, axis=0) * jnp.take(rel_table, r2, axis=0)
    rel_embed = jnp.where(twohop[:, None], two, base).reshape(bs, sl, -1)
    concat = jnp.concatenate([qa_emb, rel_embed], axis=-1)
    qars = _mlp(concat, mlp_W0, mlp_b0, mlp_g0, mlp_be0, mlp_W1, mlp_b1)
    qars = jnp.where(mask[:, :, None], 0.0, qars)
    denom = (~mask).astype(jnp.float32).sum(axis=1, keepdims=True)
    pooled = qars.sum(axis=1) / denom
    # ablation is None -> concat path_embedding (dropout eval = identity)
    logits = _mlp(jnp.concatenate([path_embedding, pooled], axis=1),
                  out_W0, out_b0, out_g0, out_be0, out_W1, out_b1)
    return logits


if False:  # reference __main__ guard neutralized (emitter)
    out = reference(**setup_inputs())
    print(out.shape, out.dtype)

if __name__ == "__main__":
    import jax
    _d = setup_inputs()
    print(jax.jit(kernel)(*tuple(_d.values())))

</pallas_src>

<mosaic_0001>
#map = affine_map<(d0, d1) -> (0, 0)>
#map1 = affine_map<(d0, d1) -> (0, 0, 0)>
module attributes {stable_mosaic.version = 14 : i64} {
  func.func @k(%arg0: i32, %arg1: i32, %arg2: memref<1000000x64xf32, #tpu.memory_space<hbm>>, %arg3: memref<512x4x100xi32, #tpu.memory_space<hbm>>, %arg4: memref<512x4x100xi32, #tpu.memory_space<hbm>>, %arg5: memref<1216x64xf32, #tpu.memory_space<hbm>>, %arg6: memref<512x4x100xi32, #tpu.memory_space<hbm>>, %arg7: memref<512x400x128xf32, #tpu.memory_space<hbm>>, %arg8: memref<512x400x128xf32, #tpu.memory_space<hbm>>, %arg9: memref<4x100xi32, #tpu.memory_space<vmem>>, %arg10: memref<4x100xi32, #tpu.memory_space<vmem>>, %arg11: memref<400x64xf32, #tpu.memory_space<vmem>>, %arg12: memref<400x64xf32, #tpu.memory_space<vmem>>, %arg13: memref<!tpu.dma_semaphore, #tpu.memory_space<semaphore_mem>>, %arg14: memref<!tpu.dma_semaphore, #tpu.memory_space<semaphore_mem>>) attributes {dimension_semantics = [#tpu.dimension_semantics<core_parallel>, #tpu.dimension_semantics<subcore_parallel>], iteration_bounds = array<i64: 2, 16>, scalar_prefetch = 0 : i64, scratch_operands = 6 : i64, tpu.core_type = #tpu.core_type<sc_vector_subcore>, window_params = [{transform_indices = #map}, {transform_indices = #map1}, {transform_indices = #map1}, {transform_indices = #map}, {transform_indices = #map1}, {transform_indices = #map1}, {transform_indices = #map1}]} {
    %mul3A = arith.constant 2 : i32
    %mul3A_0 = arith.muli %arg1, %mul3A : i32
    %add3A = arith.addi %mul3A_0, %arg0 : i32
    %scan3A = arith.constant 0 : i32
    %scan3A_1 = arith.constant 0 : i32
    %scan3A_2 = arith.constant 8 : i32
    %scan3A_3 = arith.addi %scan3A_1, %scan3A_2 : i32
    %scan3A_4 = arith.constant 1 : i32
    scf.for %scan3A_18 = %scan3A_1 to %scan3A_3 step %scan3A_4  : i32 {
      %mul3A_19 = arith.constant 16 : i32
      %mul3A_20 = arith.muli %add3A, %mul3A_19 : i32
      %mul3A_21 = arith.constant 2 : i32
      %mul3A_22 = arith.muli %mul3A_21, %scan3A_18 : i32
      %add3A_23 = arith.addi %mul3A_20, %mul3A_22 : i32
      "tpu.region"() ({
        %run_scoped3A = tpu.sem_alloc : memref<!tpu.dma_semaphore, #tpu.memory_space<semaphore_mem>>
        %dma_start3A_218 = arith.constant 0 : i32
        %dma_start3A_219 = arith.constant 0 : i32
        %dma_start3A_220 = tpu.memref_slice %arg3[%add3A_23, %dma_start3A_218, %dma_start3A_219] : memref<512x4x100xi32, #tpu.memory_space<hbm>> -> memref<1x4x100xi32, #tpu.memory_space<hbm>>
        %dma_start3A_221 = tpu.memref_squeeze %dma_start3A_220 : memref<1x4x100xi32, #tpu.memory_space<hbm>> -> memref<4x100xi32, #tpu.memory_space<hbm>>
        %dma_start3A_222 = arith.constant 0 : i32
        %dma_start3A_223 = arith.constant 0 : i32
        %dma_start3A_224 = tpu.memref_slice %arg3[%add3A_23, %dma_start3A_222, %dma_start3A_223] : memref<512x4x100xi32, #tpu.memory_space<hbm>> -> memref<1x4x100xi32, #tpu.memory_space<hbm>>
        %dma_start3A_225 = tpu.memref_squeeze %dma_start3A_224 : memref<1x4x100xi32, #tpu.memory_space<hbm>> -> memref<4x100xi32, #tpu.memory_space<hbm>>
        tpu.enqueue_dma source(%dma_start3A_225 : memref<4x100xi32, #tpu.memory_space<hbm>>) target(%arg9 : memref<4x100xi32, #tpu.memory_space<vmem>>) target_semaphore(%run_scoped3A : memref<!tpu.dma_semaphore, #tpu.memory_space<semaphore_mem>>)
        %dma_wait3A_226 = arith.constant 0 : i32
        %dma_wait3A_227 = arith.constant 0 : i32
        %dma_wait3A_228 = tpu.memref_slice %arg3[%add3A_23, %dma_wait3A_226, %dma_wait3A_227] : memref<512x4x100xi32, #tpu.memory_space<hbm>> -> memref<1x4x100xi32, #tpu.memory_space<hbm>>
        %dma_wait3A_229 = tpu.memref_squeeze %dma_wait3A_228 : memref<1x4x100xi32, #tpu.memory_space<hbm>> -> memref<4x100xi32, #tpu.memory_space<hbm>>
        %dma_wait3A_230 = arith.constant 0 : i32
        %dma_wait3A_231 = arith.constant 0 : i32
        %dma_wait3A_232 = tpu.memref_slice %arg3[%add3A_23, %dma_wait3A_230, %dma_wait3A_231] : memref<512x4x100xi32, #tpu.memory_space<hbm>> -> memref<1x4x100xi32, #tpu.memory_space<hbm>>
        %dma_wait3A_233 = tpu.memref_squeeze %dma_wait3A_232 : memref<1x4x100xi32, #tpu.memory_space<hbm>> -> memref<4x100xi32, #tpu.memory_space<hbm>>
        tpu.wait_dma2 semaphore(%run_scoped3A : memref<!tpu.dma_semaphore, #tpu.memory_space<semaphore_mem>>) src(%dma_wait3A_233 : memref<4x100xi32, #tpu.memory_space<hbm>>) dst(%arg9 : memref<4x100xi32, #tpu.memory_space<vmem>>)
        tpu.yield
      }) : () -> ()
      %dma_start3A = arith.constant 0 : i32
      %dma_start3A_24 = arith.constant 0 : i32
      %dma_start3A_25 = arith.constant 0 : i32
      %dma_start3A_26 = tpu.memref_slice %arg11[%dma_start3A_24, %dma_start3A_25] : memref<400x64xf32, #tpu.memory_space<vmem>> -> memref<100x64xf32, #tpu.memory_space<vmem>>
      %dma_start3A_27 = arith.constant 0 : i32
      %dma_start3A_28 = tpu.memref_slice %arg9[%dma_start3A, %dma_start3A_27] : memref<4x100xi32, #tpu.memory_space<vmem>> -> memref<1x100xi32, #tpu.memory_space<vmem>>
      %dma_start3A_29 = tpu.memref_squeeze %dma_start3A_28 : memref<1x100xi32, #tpu.memory_space<vmem>> -> memref<100xi32, #tpu.memory_space<vmem>>
      %dma_start3A_30 = arith.constant 0 : i32
      %dma_start3A_31 = arith.constant 0 : i32
      %dma_start3A_32 = tpu.memref_slice %arg2[%dma_start3A_30, %dma_start3A_31] : memref<1000000x64xf32, #tpu.memory_space<hbm>> -> memref<1000000x64xf32, #tpu.memory_space<hbm>>
      tpu.enqueue_indirect_dma source(%dma_start3A_32 : memref<1000000x64xf32, #tpu.memory_space<hbm>>) target(%dma_start3A_26 : memref<100x64xf32, #tpu.memory_space<vmem>>) offsets(%dma_start3A_29 : memref<100xi32, #tpu.memory_space<vmem>>) semaphore(%arg13 : memref<!tpu.dma_semaphore, #tpu.memory_space<semaphore_mem>>)
      %dma_start3A_33 = arith.constant 1 : i32
      %dma_start3A_34 = arith.constant 100 : i32
      %dma_start3A_35 = arith.constant 0 : i32
      %dma_start3A_36 = tpu.memref_slice %arg11[%dma_start3A_34, %dma_start3A_35] : memref<400x64xf32, #tpu.memory_space<vmem>> -> memref<100x64xf32, #tpu.memory_space<vmem>>
      %dma_start3A_37 = arith.constant 0 : i32
      %dma_start3A_38 = tpu.memref_slice %arg9[%dma_start3A_33, %dma_start3A_37] : memref<4x100xi32, #tpu.memory_space<vmem>> -> memref<1x100xi32, #tpu.memory_space<vmem>>
      %dma_start3A_39 = tpu.memref_squeeze %dma_start3A_38 : memref<1x100xi32, #tpu.memory_space<vmem>> -> memref<100xi32, #tpu.memory_space<vmem>>
      %dma_start3A_40 = arith.constant 0 : i32
      %dma_start3A_41 = arith.constant 0 : i32
      %dma_start3A_42 = tpu.memref_slice %arg2[%dma_start3A_40, %dma_start3A_41] : memref<1000000x64xf32, #tpu.memory_space<hbm>> -> memref<1000000x64xf32, #tpu.memory_space<hbm>>
      tpu.enqueue_indirect_dma source(%dma_start3A_42 : memref<1000000x64xf32, #tpu.memory_space<hbm>>) target(%dma_start3A_36 : memref<100x64xf32, #tpu.memory_space<vmem>>) offsets(%dma_start3A_39 : memref<100xi32, #tpu.memory_space<vmem>>) semaphore(%arg13 : memref<!tpu.dma_semaphore, #tpu.memory_space<semaphore_mem>>)
      %dma_start3A_43 = arith.constant 2 : i32
      %dma_start3A_44 = arith.constant 200 : i32
      %dma_start3A_45 = arith.constant 0 : i32
      %dma_start3A_46 = tpu.memref_slice %arg11[%dma_start3A_44, %dma_start3A_45] : memref<400x64xf32, #tpu.memory_space<vmem>> -> memref<100x64xf32, #tpu.memory_space<vmem>>
      %dma_start3A_47 = arith.constant 0 : i32
      %dma_start3A_48 = tpu.memref_slice %arg9[%dma_start3A_43, %dma_start3A_47] : memref<4x100xi32, #tpu.memory_space<vmem>> -> memref<1x100xi32, #tpu.memory_space<vmem>>
      %dma_start3A_49 = tpu.memref_squeeze %dma_start3A_48 : memref<1x100xi32, #tpu.memory_space<vmem>> -> memref<100xi32, #tpu.memory_space<vmem>>
      %dma_start3A_50 = arith.constant 0 : i32
      %dma_start3A_51 = arith.constant 0 : i32
      %dma_start3A_52 = tpu.memref_slice %arg2[%dma_start3A_50, %dma_start3A_51] : memref<1000000x64xf32, #tpu.memory_space<hbm>> -> memref<1000000x64xf32, #tpu.memory_space<hbm>>
      tpu.enqueue_indirect_dma source(%dma_start3A_52 : memref<1000000x64xf32, #tpu.memory_space<hbm>>) target(%dma_start3A_46 : memref<100x64xf32, #tpu.memory_space<vmem>>) offsets(%dma_start3A_49 : memref<100xi32, #tpu.memory_space<vmem>>) semaphore(%arg13 : memref<!tpu.dma_semaphore, #tpu.memory_space<semaphore_mem>>)
      %dma_start3A_53 = arith.constant 3 : i32
      %dma_start3A_54 = arith.constant 300 : i32
      %dma_start3A_55 = arith.constant 0 : i32
      %dma_start3A_56 = tpu.memref_slice %arg11[%dma_start3A_54, %dma_start3A_55] : memref<400x64xf32, #tpu.memory_space<vmem>> -> memref<100x64xf32, #tpu.memory_space<vmem>>
      %dma_start3A_57 = arith.constant 0 : i32
      %dma_start3A_58 = tpu.memref_slice %arg9[%dma_start3A_53, %dma_start3A_57] : memref<4x100xi32, #tpu.memory_space<vmem>> -> memref<1x100xi32, #tpu.memory_space<vmem>>
      %dma_start3A_59 = tpu.memref_squeeze %dma_start3A_58 : memref<1x100xi32, #tpu.memory_space<vmem>> -> memref<100xi32, #tpu.memory_space<vmem>>
      %dma_start3A_60 = arith.constant 0 : i32
      %dma_start3A_61 = arith.constant 0 : i32
      %dma_start3A_62 = tpu.memref_slice %arg2[%dma_start3A_60, %dma_start3A_61] : memref<1000000x64xf32, #tpu.memory_space<hbm>> -> memref<1000000x64xf32, #tpu.memory_space<hbm>>
      tpu.enqueue_indirect_dma source(%dma_start3A_62 : memref<1000000x64xf32, #tpu.memory_space<hbm>>) target(%dma_start3A_56 : memref<100x64xf32, #tpu.memory_space<vmem>>) offsets(%dma_start3A_59 : memref<100xi32, #tpu.memory_space<vmem>>) semaphore(%arg13 : memref<!tpu.dma_semaphore, #tpu.memory_space<semaphore_mem>>)
      %add3A_63 = arith.constant 1 : i32
      %add3A_64 = arith.addi %add3A_23, %add3A_63 : i32
      "tpu.region"() ({
        %run_scoped3A = tpu.sem_alloc : memref<!tpu.dma_semaphore, #tpu.memory_space<semaphore_mem>>
        %dma_start3A_218 = arith.constant 0 : i32
        %dma_start3A_219 = arith.constant 0 : i32
        %dma_start3A_220 = tpu.memref_slice %arg3[%add3A_64, %dma_start3A_218, %dma_start3A_219] : memref<512x4x100xi32, #tpu.memory_space<hbm>> -> memref<1x4x100xi32, #tpu.memory_space<hbm>>
        %dma_start3A_221 = tpu.memref_squeeze %dma_start3A_220 : memref<1x4x100xi32, #tpu.memory_space<hbm>> -> memref<4x100xi32, #tpu.memory_space<hbm>>
        %dma_start3A_222 = arith.constant 0 : i32
        %dma_start3A_223 = arith.constant 0 : i32
        %dma_start3A_224 = tpu.memref_slice %arg3[%add3A_64, %dma_start3A_222, %dma_start3A_223] : memref<512x4x100xi32, #tpu.memory_space<hbm>> -> memref<1x4x100xi32, #tpu.memory_space<hbm>>
        %dma_start3A_225 = tpu.memref_squeeze %dma_start3A_224 : memref<1x4x100xi32, #tpu.memory_space<hbm>> -> memref<4x100xi32, #tpu.memory_space<hbm>>
        tpu.enqueue_dma source(%dma_start3A_225 : memref<4x100xi32, #tpu.memory_space<hbm>>) target(%arg10 : memref<4x100xi32, #tpu.memory_space<vmem>>) target_semaphore(%run_scoped3A : memref<!tpu.dma_semaphore, #tpu.memory_space<semaphore_mem>>)
        %dma_wait3A_226 = arith.constant 0 : i32
        %dma_wait3A_227 = arith.constant 0 : i32
        %dma_wait3A_228 = tpu.memref_slice %arg3[%add3A_64, %dma_wait3A_226, %dma_wait3A_227] : memref<512x4x100xi32, #tpu.memory_space<hbm>> -> memref<1x4x100xi32, #tpu.memory_space<hbm>>
        %dma_wait3A_229 = tpu.memref_squeeze %dma_wait3A_228 : memref<1x4x100xi32, #tpu.memory_space<hbm>> -> memref<4x100xi32, #tpu.memory_space<hbm>>
        %dma_wait3A_230 = arith.constant 0 : i32
        %dma_wait3A_231 = arith.constant 0 : i32
        %dma_wait3A_232 = tpu.memref_slice %arg3[%add3A_64, %dma_wait3A_230, %dma_wait3A_231] : memref<512x4x100xi32, #tpu.memory_space<hbm>> -> memref<1x4x100xi32, #tpu.memory_space<hbm>>
        %dma_wait3A_233 = tpu.memref_squeeze %dma_wait3A_232 : memref<1x4x100xi32, #tpu.memory_space<hbm>> -> memref<4x100xi32, #tpu.memory_space<hbm>>
        tpu.wait_dma2 semaphore(%run_scoped3A : memref<!tpu.dma_semaphore, #tpu.memory_space<semaphore_mem>>) src(%dma_wait3A_233 : memref<4x100xi32, #tpu.memory_space<hbm>>) dst(%arg10 : memref<4x100xi32, #tpu.memory_space<vmem>>)
        tpu.yield
      }) : () -> ()
      %dma_wait3A = arith.constant 0 : i32
      %dma_wait3A_65 = arith.constant 0 : i32
      %dma_wait3A_66 = arith.constant 0 : i32
      %dma_wait3A_67 = tpu.memref_slice %arg11[%dma_wait3A_65, %dma_wait3A_66] : memref<400x64xf32, #tpu.memory_space<vmem>> -> memref<100x64xf32, #tpu.memory_space<vmem>>
      %dma_wait3A_68 = arith.constant 0 : i32
      %dma_wait3A_69 = tpu.memref_slice %arg9[%dma_wait3A, %dma_wait3A_68] : memref<4x100xi32, #tpu.memory_space<vmem>> -> memref<1x100xi32, #tpu.memory_space<vmem>>
      %dma_wait3A_70 = tpu.memref_squeeze %dma_wait3A_69 : memref<1x100xi32, #tpu.memory_space<vmem>> -> memref<100xi32, #tpu.memory_space<vmem>>
      %dma_wait3A_71 = arith.constant 0 : i32
      %dma_wait3A_72 = arith.constant 0 : i32
      %dma_wait3A_73 = tpu.memref_slice %arg2[%dma_wait3A_71, %dma_wait3A_72] : memref<1000000x64xf32, #tpu.memory_space<hbm>> -> memref<1000000x64xf32, #tpu.memory_space<hbm>>
      tpu.wait_indirect_dma semaphore(%arg13 : memref<!tpu.dma_semaphore, #tpu.memory_space<semaphore_mem>>) src(%dma_wait3A_73 : memref<1000000x64xf32, #tpu.memory_space<hbm>>) dst(%dma_wait3A_67 : memref<100x64xf32, #tpu.memory_space<vmem>>)
      %dma_wait3A_74 = arith.constant 1 : i32
      %dma_wait3A_75 = arith.constant 100 : i32
      %dma_wait3A_76 = arith.constant 0 : i32
      %dma_wait3A_77 = tpu.memref_slice %arg11[%dma_wait3A_75, %dma_wait3A_76] : memref<400x64xf32, #tpu.memory_space<vmem>> -> memref<100x64xf32, #tpu.memory_space<vmem>>
      %dma_wait3A_78 = arith.constant 0 : i32
      %dma_wait3A_79 = tpu.memref_slice %arg9[%dma_wait3A_74, %dma_wait3A_78] : memref<4x100xi32, #tpu.memory_space<vmem>> -> memref<1x100xi32, #tpu.memory_space<vmem>>
      %dma_wait3A_80 = tpu.memref_squeeze %dma_wait3A_79 : memref<1x100xi32, #tpu.memory_space<vmem>> -> memref<100xi32, #tpu.memory_space<vmem>>
      %dma_wait3A_81 = arith.constant 0 : i32
      %dma_wait3A_82 = arith.constant 0 : i32
      %dma_wait3A_83 = tpu.memref_slice %arg2[%dma_wait3A_81, %dma_wait3A_82] : memref<1000000x64xf32, #tpu.memory_space<hbm>> -> memref<1000000x64xf32, #tpu.memory_space<hbm>>
      tpu.wait_indirect_dma semaphore(%arg13 : memref<!tpu.dma_semaphore, #tpu.memory_space<semaphore_mem>>) src(%dma_wait3A_83 : memref<1000000x64xf32, #tpu.memory_space<hbm>>) dst(%dma_wait3A_77 : memref<100x64xf32, #tpu.memory_space<vmem>>)
      %dma_wait3A_84 = arith.constant 2 : i32
      %dma_wait3A_85 = arith.constant 200 : i32
      %dma_wait3A_86 = arith.constant 0 : i32
      %dma_wait3A_87 = tpu.memref_slice %arg11[%dma_wait3A_85, %dma_wait3A_86] : memref<400x64xf32, #tpu.memory_space<vmem>> -> memref<100x64xf32, #tpu.memory_space<vmem>>
      %dma_wait3A_88 = arith.constant 0 : i32
      %dma_wait3A_89 = tpu.memref_slice %arg9[%dma_wait3A_84, %dma_wait3A_88] : memref<4x100xi32, #tpu.memory_space<vmem>> -> memref<1x100xi32, #tpu.memory_space<vmem>>
      %dma_wait3A_90 = tpu.memref_squeeze %dma_wait3A_89 : memref<1x100xi32, #tpu.memory_space<vmem>> -> memref<100xi32, #tpu.memory_space<vmem>>
      %dma_wait3A_91 = arith.constant 0 : i32
      %dma_wait3A_92 = arith.constant 0 : i32
      %dma_wait3A_93 = tpu.memref_slice %arg2[%dma_wait3A_91, %dma_wait3A_92] : memref<1000000x64xf32, #tpu.memory_space<hbm>> -> memref<1000000x64xf32, #tpu.memory_space<hbm>>
      tpu.wait_indirect_dma semaphore(%arg13 : memref<!tpu.dma_semaphore, #tpu.memory_space<semaphore_mem>>) src(%dma_wait3A_93 : memref<1000000x64xf32, #tpu.memory_space<hbm>>) dst(%dma_wait3A_87 : memref<100x64xf32, #tpu.memory_space<vmem>>)
      %dma_wait3A_94 = arith.constant 3 : i32
      %dma_wait3A_95 = arith.constant 300 : i32
      %dma_wait3A_96 = arith.constant 0 : i32
      %dma_wait3A_97 = tpu.memref_slice %arg11[%dma_wait3A_95, %dma_wait3A_96] : memref<400x64xf32, #tpu.memory_space<vmem>> -> memref<100x64xf32, #tpu.memory_space<vmem>>
      %dma_wait3A_98 = arith.constant 0 : i32
      %dma_wait3A_99 = tpu.memref_slice %arg9[%dma_wait3A_94, %dma_wait3A_98] : memref<4x100xi32, #tpu.memory_space<vmem>> -> memref<1x100xi32, #tpu.memory_space<vmem>>
      %dma_wait3A_100 = tpu.memref_squeeze %dma_wait3A_99 : memref<1x100xi32, #tpu.memory_space<vmem>> -> memref<100xi32, #tpu.memory_space<vmem>>
      %dma_wait3A_101 = arith.constant 0 : i32
      %dma_wait3A_102 = arith.constant 0 : i32
      %dma_wait3A_103 = tpu.memref_slice %arg2[%dma_wait3A_101, %dma_wait3A_102] : memref<1000000x64xf32, #tpu.memory_space<hbm>> -> memref<1000000x64xf32, #tpu.memory_space<hbm>>
      tpu.wait_indirect_dma semaphore(%arg13 : memref<!tpu.dma_semaphore, #tpu.memory_space<semaphore_mem>>) src(%dma_wait3A_103 : memref<1000000x64xf32, #tpu.memory_space<hbm>>) dst(%dma_wait3A_97 : memref<100x64xf32, #tpu.memory_space<vmem>>)
      %dma_start3A_104 = arith.constant 0 : i32
      %dma_start3A_105 = arith.constant 0 : i32
      %dma_start3A_106 = tpu.memref_slice %arg7[%add3A_23, %dma_start3A_104, %dma_start3A_105] : memref<512x400x128xf32, #tpu.memory_space<hbm>> -> memref<1x400x64xf32, #tpu.memory_space<hbm>>
      %dma_start3A_107 = tpu.memref_squeeze %dma_start3A_106 : memref<1x400x64xf32, #tpu.memory_space<hbm>> -> memref<400x64xf32, #tpu.memory_space<hbm>>
      %dma_start3A_108 = arith.constant 0 : i32
      %dma_start3A_109 = arith.constant 0 : i32
      %dma_start3A_110 = tpu.memref_slice %arg7[%add3A_23, %dma_start3A_108, %dma_start3A_109] : memref<512x400x128xf32, #tpu.memory_space<hbm>> -> memref<1x400x64xf32, #tpu.memory_space<hbm>>
      %dma_start3A_111 = tpu.memref_squeeze %dma_start3A_110 : memref<1x400x64xf32, #tpu.memory_space<hbm>> -> memref<400x64xf32, #tpu.memory_space<hbm>>
      tpu.enqueue_dma source(%arg11 : memref<400x64xf32, #tpu.memory_space<vmem>>) target(%dma_start3A_111 : memref<400x64xf32, #tpu.memory_space<hbm>>) target_semaphore(%arg14 : memref<!tpu.dma_semaphore, #tpu.memory_space<semaphore_mem>>)
      %dma_start3A_112 = arith.constant 0 : i32
      %dma_start3A_113 = arith.constant 0 : i32
      %dma_start3A_114 = arith.constant 0 : i32
      %dma_start3A_115 = tpu.memref_slice %arg12[%dma_start3A_113, %dma_start3A_114] : memref<400x64xf32, #tpu.memory_space<vmem>> -> memref<100x64xf32, #tpu.memory_space<vmem>>
      %dma_start3A_116 = arith.constant 0 : i32
      %dma_start3A_117 = tpu.memref_slice %arg10[%dma_start3A_112, %dma_start3A_116] : memref<4x100xi32, #tpu.memory_space<vmem>> -> memref<1x100xi32, #tpu.memory_space<vmem>>
      %dma_start3A_118 = tpu.memref_squeeze %dma_start3A_117 : memref<1x100xi32, #tpu.memory_space<vmem>> -> memref<100xi32, #tpu.memory_space<vmem>>
      %dma_start3A_119 = arith.constant 0 : i32
      %dma_start3A_120 = arith.constant 0 : i32
      %dma_start3A_121 = tpu.memref_slice %arg2[%dma_start3A_119, %dma_start3A_120] : memref<1000000x64xf32, #tpu.memory_space<hbm>> -> memref<1000000x64xf32, #tpu.memory_space<hbm>>
      tpu.enqueue_indirect_dma source(%dma_start3A_121 : memref<1000000x64xf32, #tpu.memory_space<hbm>>) target(%dma_start3A_115 : memref<100x64xf32, #tpu.memory_space<vmem>>) offsets(%dma_start3A_118 : memref<100xi32, #tpu.memory_space<vmem>>) semaphore(%arg13 : memref<!tpu.dma_semaphore, #tpu.memory_space<semaphore_mem>>)
      %dma_start3A_122 = arith.constant 1 : i32
      %dma_start3A_123 = arith.constant 100 : i32
      %dma_start3A_124 = arith.constant 0 : i32
      %dma_start3A_125 = tpu.memref_slice %arg12[%dma_start3A_123, %dma_start3A_124] : memref<400x64xf32, #tpu.memory_space<vmem>> -> memref<100x64xf32, #tpu.memory_space<vmem>>
      %dma_start3A_126 = arith.constant 0 : i32
      %dma_start3A_127 = tpu.memref_slice %arg10[%dma_start3A_122, %dma_start3A_126] : memref<4x100xi32, #tpu.memory_space<vmem>> -> memref<1x100xi32, #tpu.memory_space<vmem>>
      %dma_start3A_128 = tpu.memref_squeeze %dma_start3A_127 : memref<1x100xi32, #tpu.memory_space<vmem>> -> memref<100xi32, #tpu.memory_space<vmem>>
      %dma_start3A_129 = arith.constant 0 : i32
      %dma_start3A_130 = arith.constant 0 : i32
      %dma_start3A_131 = tpu.memref_slice %arg2[%dma_start3A_129, %dma_start3A_130] : memref<1000000x64xf32, #tpu.memory_space<hbm>> -> memref<1000000x64xf32, #tpu.memory_space<hbm>>
      tpu.enqueue_indirect_dma source(%dma_start3A_131 : memref<1000000x64xf32, #tpu.memory_space<hbm>>) target(%dma_start3A_125 : memref<100x64xf32, #tpu.memory_space<vmem>>) offsets(%dma_start3A_128 : memref<100xi32, #tpu.memory_space<vmem>>) semaphore(%arg13 : memref<!tpu.dma_semaphore, #tpu.memory_space<semaphore_mem>>)
      %dma_start3A_132 = arith.constant 2 : i32
      %dma_start3A_133 = arith.constant 200 : i32
      %dma_start3A_134 = arith.constant 0 : i32
      %dma_start3A_135 = tpu.memref_slice %arg12[%dma_start3A_133, %dma_start3A_134] : memref<400x64xf32, #tpu.memory_space<vmem>> -> memref<100x64xf32, #tpu.memory_space<vmem>>
      %dma_start3A_136 = arith.constant 0 : i32
      %dma_start3A_137 = tpu.memref_slice %arg10[%dma_start3A_132, %dma_start3A_136] : memref<4x100xi32, #tpu.memory_space<vmem>> -> memref<1x100xi32, #tpu.memory_space<vmem>>
      %dma_start3A_138 = tpu.memref_squeeze %dma_start3A_137 : memref<1x100xi32, #tpu.memory_space<vmem>> -> memref<100xi32, #tpu.memory_space<vmem>>
      %dma_start3A_139 = arith.constant 0 : i32
      %dma_start3A_140 = arith.constant 0 : i32
      %dma_start3A_141 = tpu.memref_slice %arg2[%dma_start3A_139, %dma_start3A_140] : memref<1000000x64xf32, #tpu.memory_space<hbm>> -> memref<1000000x64xf32, #tpu.memory_space<hbm>>
      tpu.enqueue_indirect_dma source(%dma_start3A_141 : memref<1000000x64xf32, #tpu.memory_space<hbm>>) target(%dma_start3A_135 : memref<100x64xf32, #tpu.memory_space<vmem>>) offsets(%dma_start3A_138 : memref<100xi32, #tpu.memory_space<vmem>>) semaphore(%arg13 : memref<!tpu.dma_semaphore, #tpu.memory_space<semaphore_mem>>)
      %dma_start3A_142 = arith.constant 3 : i32
      %dma_start3A_143 = arith.constant 300 : i32
      %dma_start3A_144 = arith.constant 0 : i32
      %dma_start3A_145 = tpu.memref_slice %arg12[%dma_start3A_143, %dma_start3A_144] : memref<400x64xf32, #tpu.memory_space<vmem>> -> memref<100x64xf32, #tpu.memory_space<vmem>>
      %dma_start3A_146 = arith.constant 0 : i32
      %dma_start3A_147 = tpu.memref_slice %arg10[%dma_start3A_142, %dma_start3A_146] : memref<4x100xi32, #tpu.memory_space<vmem>> -> memref<1x100xi32, #tpu.memory_space<vmem>>
      %dma_start3A_148 = tpu.memref_squeeze %dma_start3A_147 : memref<1x100xi32, #tpu.memory_space<vmem>> -> memref<100xi32, #tpu.memory_space<vmem>>
      %dma_start3A_149 = arith.constant 0 : i32
      %dma_start3A_150 = arith.constant 0 : i32
      %dma_start3A_151 = tpu.memref_slice %arg2[%dma_start3A_149, %dma_start3A_150] : memref<1000000x64xf32, #tpu.memory_space<hbm>> -> memref<1000000x64xf32, #tpu.memory_space<hbm>>
      tpu.enqueue_indirect_dma source(%dma_start3A_151 : memref<1000000x64xf32, #tpu.memory_space<hbm>>) target(%dma_start3A_145 : memref<100x64xf32, #tpu.memory_space<vmem>>) offsets(%dma_start3A_148 : memref<100xi32, #tpu.memory_space<vmem>>) semaphore(%arg13 : memref<!tpu.dma_semaphore, #tpu.memory_space<semaphore_mem>>)
      %dma_wait3A_152 = arith.constant 0 : i32
      %dma_wait3A_153 = arith.constant 0 : i32
      %dma_wait3A_154 = arith.constant 0 : i32
      %dma_wait3A_155 = tpu.memref_slice %arg12[%dma_wait3A_153, %dma_wait3A_154] : memref<400x64xf32, #tpu.memory_space<vmem>> -> memref<100x64xf32, #tpu.memory_space<vmem>>
      %dma_wait3A_156 = arith.constant 0 : i32
      %dma_wait3A_157 = tpu.memref_slice %arg10[%dma_wait3A_152, %dma_wait3A_156] : memref<4x100xi32, #tpu.memory_space<vmem>> -> memref<1x100xi32, #tpu.memory_space<vmem>>
      %dma_wait3A_158 = tpu.memref_squeeze %dma_wait3A_157 : memref<1x100xi32, #tpu.memory_space<vmem>> -> memref<100xi32, #tpu.memory_space<vmem>>
      %dma_wait3A_159 = arith.constant 0 : i32
      %dma_wait3A_160 = arith.constant 0 : i32
      %dma_wait3A_161 = tpu.memref_slice %arg2[%dma_wait3A_159, %dma_wait3A_160] : memref<1000000x64xf32, #tpu.memory_space<hbm>> -> memref<1000000x64xf32, #tpu.memory_space<hbm>>
      tpu.wait_indirect_dma semaphore(%arg13 : memref<!tpu.dma_semaphore, #tpu.memory_space<semaphore_mem>>) src(%dma_wait3A_161 : memref<1000000x64xf32, #tpu.memory_space<hbm>>) dst(%dma_wait3A_155 : memref<100x64xf32, #tpu.memory_space<vmem>>)
      %dma_wait3A_162 = arith.constant 1 : i32
      %dma_wait3A_163 = arith.constant 100 : i32
      %dma_wait3A_164 = arith.constant 0 : i32
      %dma_wait3A_165 = tpu.memref_slice %arg12[%dma_wait3A_163, %dma_wait3A_164] : memref<400x64xf32, #tpu.memory_space<vmem>> -> memref<100x64xf32, #tpu.memory_space<vmem>>
      %dma_wait3A_166 = arith.constant 0 : i32
      %dma_wait3A_167 = tpu.memref_slice %arg10[%dma_wait3A_162, %dma_wait3A_166] : memref<4x100xi32, #tpu.memory_space<vmem>> -> memref<1x100xi32, #tpu.memory_space<vmem>>
      %dma_wait3A_168 = tpu.memref_squeeze %dma_wait3A_167 : memref<1x100xi32, #tpu.memory_space<vmem>> -> memref<100xi32, #tpu.memory_space<vmem>>
      %dma_wait3A_169 = arith.constant 0 : i32
      %dma_wait3A_170 = arith.constant 0 : i32
      %dma_wait3A_171 = tpu.memref_slice %arg2[%dma_wait3A_169, %dma_wait3A_170] : memref<1000000x64xf32, #tpu.memory_space<hbm>> -> memref<1000000x64xf32, #tpu.memory_space<hbm>>
      tpu.wait_indirect_dma semaphore(%arg13 : memref<!tpu.dma_semaphore, #tpu.memory_space<semaphore_mem>>) src(%dma_wait3A_171 : memref<1000000x64xf32, #tpu.memory_space<hbm>>) dst(%dma_wait3A_165 : memref<100x64xf32, #tpu.memory_space<vmem>>)
      %dma_wait3A_172 = arith.constant 2 : i32
      %dma_wait3A_173 = arith.constant 200 : i32
      %dma_wait3A_174 = arith.constant 0 : i32
      %dma_wait3A_175 = tpu.memref_slice %arg12[%dma_wait3A_173, %dma_wait3A_174] : memref<400x64xf32, #tpu.memory_space<vmem>> -> memref<100x64xf32, #tpu.memory_space<vmem>>
      %dma_wait3A_176 = arith.constant 0 : i32
      %dma_wait3A_177 = tpu.memref_slice %arg10[%dma_wait3A_172, %dma_wait3A_176] : memref<4x100xi32, #tpu.memory_space<vmem>> -> memref<1x100xi32, #tpu.memory_space<vmem>>
      %dma_wait3A_178 = tpu.memref_squeeze %dma_wait3A_177 : memref<1x100xi32, #tpu.memory_space<vmem>> -> memref<100xi32, #tpu.memory_space<vmem>>
      %dma_wait3A_179 = arith.constant 0 : i32
      %dma_wait3A_180 = arith.constant 0 : i32
      %dma_wait3A_181 = tpu.memref_slice %arg2[%dma_wait3A_179, %dma_wait3A_180] : memref<1000000x64xf32, #tpu.memory_space<hbm>> -> memref<1000000x64xf32, #tpu.memory_space<hbm>>
      tpu.wait_indirect_dma semaphore(%arg13 : memref<!tpu.dma_semaphore, #tpu.memory_space<semaphore_mem>>) src(%dma_wait3A_181 : memref<1000000x64xf32, #tpu.memory_space<hbm>>) dst(%dma_wait3A_175 : memref<100x64xf32, #tpu.memory_space<vmem>>)
      %dma_wait3A_182 = arith.constant 3 : i32
      %dma_wait3A_183 = arith.constant 300 : i32
      %dma_wait3A_184 = arith.constant 0 : i32
      %dma_wait3A_185 = tpu.memref_slice %arg12[%dma_wait3A_183, %dma_wait3A_184] : memref<400x64xf32, #tpu.memory_space<vmem>> -> memref<100x64xf32, #tpu.memory_space<vmem>>
      %dma_wait3A_186 = arith.constant 0 : i32
      %dma_wait3A_187 = tpu.memref_slice %arg10[%dma_wait3A_182, %dma_wait3A_186] : memref<4x100xi32, #tpu.memory_space<vmem>> -> memref<1x100xi32, #tpu.memory_space<vmem>>
      %dma_wait3A_188 = tpu.memref_squeeze %dma_wait3A_187 : memref<1x100xi32, #tpu.memory_space<vmem>> -> memref<100xi32, #tpu.memory_space<vmem>>
      %dma_wait3A_189 = arith.constant 0 : i32
      %dma_wait3A_190 = arith.constant 0 : i32
      %dma_wait3A_191 = tpu.memref_slice %arg2[%dma_wait3A_189, %dma_wait3A_190] : memref<1000000x64xf32, #tpu.memory_space<hbm>> -> memref<1000000x64xf32, #tpu.memory_space<hbm>>
      tpu.wait_indirect_dma semaphore(%arg13 : memref<!tpu.dma_semaphore, #tpu.memory_space<semaphore_mem>>) src(%dma_wait3A_191 : memref<1000000x64xf32, #tpu.memory_space<hbm>>) dst(%dma_wait3A_185 : memref<100x64xf32, #tpu.memory_space<vmem>>)
      %add3A_192 = arith.constant 1 : i32
      %add3A_193 = arith.addi %add3A_23, %add3A_192 : i32
      %dma_start3A_194 = arith.constant 0 : i32
      %dma_start3A_195 = arith.constant 0 : i32
      %dma_start3A_196 = tpu.memref_slice %arg7[%add3A_193, %dma_start3A_194, %dma_start3A_195] : memref<512x400x128xf32, #tpu.memory_space<hbm>> -> memref<1x400x64xf32, #tpu.memory_space<hbm>>
      %dma_start3A_197 = tpu.memref_squeeze %dma_start3A_196 : memref<1x400x64xf32, #tpu.memory_space<hbm>> -> memref<400x64xf32, #tpu.memory_space<hbm>>
      %dma_start3A_198 = arith.constant 0 : i32
      %dma_start3A_199 = arith.constant 0 : i32
      %dma_start3A_200 = tpu.memref_slice %arg7[%add3A_193, %dma_start3A_198, %dma_start3A_199] : memref<512x400x128xf32, #tpu.memory_space<hbm>> -> memref<1x400x64xf32, #tpu.memory_space<hbm>>
      %dma_start3A_201 = tpu.memref_squeeze %dma_start3A_200 : memref<1x400x64xf32, #tpu.memory_space<hbm>> -> memref<400x64xf32, #tpu.memory_space<hbm>>
      tpu.enqueue_dma source(%arg12 : memref<400x64xf32, #tpu.memory_space<vmem>>) target(%dma_start3A_201 : memref<400x64xf32, #tpu.memory_space<hbm>>) target_semaphore(%arg14 : memref<!tpu.dma_semaphore, #tpu.memory_space<semaphore_mem>>)
      %dma_wait3A_202 = arith.constant 0 : i32
      %dma_wait3A_203 = arith.constant 0 : i32
      %dma_wait3A_204 = tpu.memref_slice %arg7[%add3A_23, %dma_wait3A_202, %dma_wait3A_203] : memref<512x400x128xf32, #tpu.memory_space<hbm>> -> memref<1x400x64xf32, #tpu.memory_space<hbm>>
      %dma_wait3A_205 = tpu.memref_squeeze %dma_wait3A_204 : memref<1x400x64xf32, #tpu.memory_space<hbm>> -> memref<400x64xf32, #tpu.memory_space<hbm>>
      %dma_wait3A_206 = arith.constant 0 : i32
      %dma_wait3A_207 = arith.constant 0 : i32
      %dma_wait3A_208 = tpu.memref_slice %arg7[%add3A_23, %dma_wait3A_206, %dma_wait3A_207] : memref<512x400x128xf32, #tpu.memory_space<hbm>> -> memref<1x400x64xf32, #tpu.memory_space<hbm>>
      %dma_wait3A_209 = tpu.memref_squeeze %dma_wait3A_208 : memref<1x400x64xf32, #tpu.memory_space<hbm>> -> memref<400x64xf32, #tpu.memory_space<hbm>>
      tpu.wait_dma2 semaphore(%arg14 : memref<!tpu.dma_semaphore, #tpu.memory_space<semaphore_mem>>) src(%arg11 : memref<400x64xf32, #tpu.memory_space<vmem>>) dst(%dma_wait3A_209 : memref<400x64xf32, #tpu.memory_space<hbm>>)
      %dma_wait3A_210 = arith.constant 0 : i32
      %dma_wait3A_211 = arith.constant 0 : i32
      %dma_wait3A_212 = tpu.memref_slice %arg7[%add3A_193, %dma_wait3A_210, %dma_wait3A_211] : memref<512x400x128xf32, #tpu.memory_space<hbm>> -> memref<1x400x64xf32, #tpu.memory_space<hbm>>
      %dma_wait3A_213 = tpu.memref_squeeze %dma_wait3A_212 : memref<1x400x64xf32, #tpu.memory_space<hbm>> -> memref<400x64xf32, #tpu.memory_space<hbm>>
      %dma_wait3A_214 = arith.constant 0 : i32
      %dma_wait3A_215 = arith.constant 0 : i32
      %dma_wait3A_216 = tpu.memref_slice %arg7[%add3A_193, %dma_wait3A_214, %dma_wait3A_215] : memref<512x400x128xf32, #tpu.memory_space<hbm>> -> memref<1x400x64xf32, #tpu.memory_space<hbm>>
      %dma_wait3A_217 = tpu.memref_squeeze %dma_wait3A_216 : memref<1x400x64xf32, #tpu.memory_space<hbm>> -> memref<400x64xf32, #tpu.memory_space<hbm>>
      tpu.wait_dma2 semaphore(%arg14 : memref<!tpu.dma_semaphore, #tpu.memory_space<semaphore_mem>>) src(%arg12 : memref<400x64xf32, #tpu.memory_space<vmem>>) dst(%dma_wait3A_217 : memref<400x64xf32, #tpu.memory_space<hbm>>)
    }
    %scan3A_5 = arith.constant 8 : i32
    %scan3A_6 = arith.constant 0 : i32
    %scan3A_7 = arith.constant 0 : i32
    %scan3A_8 = arith.constant 8 : i32
    %scan3A_9 = arith.addi %scan3A_7, %scan3A_8 : i32
    %scan3A_10 = arith.constant 1 : i32
    scf.for %scan3A_18 = %scan3A_7 to %scan3A_9 step %scan3A_10  : i32 {
      %mul3A_19 = arith.constant 16 : i32
      %mul3A_20 = arith.muli %add3A, %mul3A_19 : i32
      %mul3A_21 = arith.constant 2 : i32
      %mul3A_22 = arith.muli %mul3A_21, %scan3A_18 : i32
      %add3A_23 = arith.addi %mul3A_20, %mul3A_22 : i32
      "tpu.region"() ({
        %run_scoped3A = tpu.sem_alloc : memref<!tpu.dma_semaphore, #tpu.memory_space<semaphore_mem>>
        %dma_start3A_218 = arith.constant 0 : i32
        %dma_start3A_219 = arith.constant 0 : i32
        %dma_start3A_220 = tpu.memref_slice %arg4[%add3A_23, %dma_start3A_218, %dma_start3A_219] : memref<512x4x100xi32, #tpu.memory_space<hbm>> -> memref<1x4x100xi32, #tpu.memory_space<hbm>>
        %dma_start3A_221 = tpu.memref_squeeze %dma_start3A_220 : memref<1x4x100xi32, #tpu.memory_space<hbm>> -> memref<4x100xi32, #tpu.memory_space<hbm>>
        %dma_start3A_222 = arith.constant 0 : i32
        %dma_start3A_223 = arith.constant 0 : i32
        %dma_start3A_224 = tpu.memref_slice %arg4[%add3A_23, %dma_start3A_222, %dma_start3A_223] : memref<512x4x100xi32, #tpu.memory_space<hbm>> -> memref<1x4x100xi32, #tpu.memory_space<hbm>>
        %dma_start3A_225 = tpu.memref_squeeze %dma_start3A_224 : memref<1x4x100xi32, #tpu.memory_space<hbm>> -> memref<4x100xi32, #tpu.memory_space<hbm>>
        tpu.enqueue_dma source(%dma_start3A_225 : memref<4x100xi32, #tpu.memory_space<hbm>>) target(%arg9 : memref<4x100xi32, #tpu.memory_space<vmem>>) target_semaphore(%run_scoped3A : memref<!tpu.dma_semaphore, #tpu.memory_space<semaphore_mem>>)
        %dma_wait3A_226 = arith.constant 0 : i32
        %dma_wait3A_227 = arith.constant 0 : i32
        %dma_wait3A_228 = tpu.memref_slice %arg4[%add3A_23, %dma_wait3A_226, %dma_wait3A_227] : memref<512x4x100xi32, #tpu.memory_space<hbm>> -> memref<1x4x100xi32, #tpu.memory_space<hbm>>
        %dma_wait3A_229 = tpu.memref_squeeze %dma_wait3A_228 : memref<1x4x100xi32, #tpu.memory_space<hbm>> -> memref<4x100xi32, #tpu.memory_space<hbm>>
        %dma_wait3A_230 = arith.constant 0 : i32
        %dma_wait3A_231 = arith.constant 0 : i32
        %dma_wait3A_232 = tpu.memref_slice %arg4[%add3A_23, %dma_wait3A_230, %dma_wait3A_231] : memref<512x4x100xi32, #tpu.memory_space<hbm>> -> memref<1x4x100xi32, #tpu.memory_space<hbm>>
        %dma_wait3A_233 = tpu.memref_squeeze %dma_wait3A_232 : memref<1x4x100xi32, #tpu.memory_space<hbm>> -> memref<4x100xi32, #tpu.memory_space<hbm>>
        tpu.wait_dma2 semaphore(%run_scoped3A : memref<!tpu.dma_semaphore, #tpu.memory_space<semaphore_mem>>) src(%dma_wait3A_233 : memref<4x100xi32, #tpu.memory_space<hbm>>) dst(%arg9 : memref<4x100xi32, #tpu.memory_space<vmem>>)
        tpu.yield
      }) : () -> ()
      %dma_start3A = arith.constant 0 : i32
      %dma_start3A_24 = arith.constant 0 : i32
      %dma_start3A_25 = arith.constant 0 : i32
      %dma_start3A_26 = tpu.memref_slice %arg11[%dma_start3A_24, %dma_start3A_25] : memref<400x64xf32, #tpu.memory_space<vmem>> -> memref<100x64xf32, #tpu.memory_space<vmem>>
      %dma_start3A_27 = arith.constant 0 : i32
      %dma_start3A_28 = tpu.memref_slice %arg9[%dma_start3A, %dma_start3A_27] : memref<4x100xi32, #tpu.memory_space<vmem>> -> memref<1x100xi32, #tpu.memory_space<vmem>>
      %dma_start3A_29 = tpu.memref_squeeze %dma_start3A_28 : memref<1x100xi32, #tpu.memory_space<vmem>> -> memref<100xi32, #tpu.memory_space<vmem>>
      %dma_start3A_30 = arith.constant 0 : i32
      %dma_start3A_31 = arith.constant 0 : i32
      %dma_start3A_32 = tpu.memref_slice %arg2[%dma_start3A_30, %dma_start3A_31] : memref<1000000x64xf32, #tpu.memory_space<hbm>> -> memref<1000000x64xf32, #tpu.memory_space<hbm>>
      tpu.enqueue_indirect_dma source(%dma_start3A_32 : memref<1000000x64xf32, #tpu.memory_space<hbm>>) target(%dma_start3A_26 : memref<100x64xf32, #tpu.memory_space<vmem>>) offsets(%dma_start3A_29 : memref<100xi32, #tpu.memory_space<vmem>>) semaphore(%arg13 : memref<!tpu.dma_semaphore, #tpu.memory_space<semaphore_mem>>)
      %dma_start3A_33 = arith.constant 1 : i32
      %dma_start3A_34 = arith.constant 100 : i32
      %dma_start3A_35 = arith.constant 0 : i32
      %dma_start3A_36 = tpu.memref_slice %arg11[%dma_start3A_34, %dma_start3A_35] : memref<400x64xf32, #tpu.memory_space<vmem>> -> memref<100x64xf32, #tpu.memory_space<vmem>>
      %dma_start3A_37 = arith.constant 0 : i32
      %dma_start3A_38 = tpu.memref_slice %arg9[%dma_start3A_33, %dma_start3A_37] : memref<4x100xi32, #tpu.memory_space<vmem>> -> memref<1x100xi32, #tpu.memory_space<vmem>>
      %dma_start3A_39 = tpu.memref_squeeze %dma_start3A_38 : memref<1x100xi32, #tpu.memory_space<vmem>> -> memref<100xi32, #tpu.memory_space<vmem>>
      %dma_start3A_40 = arith.constant 0 : i32
      %dma_start3A_41 = arith.constant 0 : i32
      %dma_start3A_42 = tpu.memref_slice %arg2[%dma_start3A_40, %dma_start3A_41] : memref<1000000x64xf32, #tpu.memory_space<hbm>> -> memref<1000000x64xf32, #tpu.memory_space<hbm>>
      tpu.enqueue_indirect_dma source(%dma_start3A_42 : memref<1000000x64xf32, #tpu.memory_space<hbm>>) target(%dma_start3A_36 : memref<100x64xf32, #tpu.memory_space<vmem>>) offsets(%dma_start3A_39 : memref<100xi32, #tpu.memory_space<vmem>>) semaphore(%arg13 : memref<!tpu.dma_semaphore, #tpu.memory_space<semaphore_mem>>)
      %dma_start3A_43 = arith.constant 2 : i32
      %dma_start3A_44 = arith.constant 200 : i32
      %dma_start3A_45 = arith.constant 0 : i32
      %dma_start3A_46 = tpu.memref_slice %arg11[%dma_start3A_44, %dma_start3A_45] : memref<400x64xf32, #tpu.memory_space<vmem>> -> memref<100x64xf32, #tpu.memory_space<vmem>>
      %dma_start3A_47 = arith.constant 0 : i32
      %dma_start3A_48 = tpu.memref_slice %arg9[%dma_start3A_43, %dma_start3A_47] : memref<4x100xi32, #tpu.memory_space<vmem>> -> memref<1x100xi32, #tpu.memory_space<vmem>>
      %dma_start3A_49 = tpu.memref_squeeze %dma_start3A_48 : memref<1x100xi32, #tpu.memory_space<vmem>> -> memref<100xi32, #tpu.memory_space<vmem>>
      %dma_start3A_50 = arith.constant 0 : i32
      %dma_start3A_51 = arith.constant 0 : i32
      %dma_start3A_52 = tpu.memref_slice %arg2[%dma_start3A_50, %dma_start3A_51] : memref<1000000x64xf32, #tpu.memory_space<hbm>> -> memref<1000000x64xf32, #tpu.memory_space<hbm>>
      tpu.enqueue_indirect_dma source(%dma_start3A_52 : memref<1000000x64xf32, #tpu.memory_space<hbm>>) target(%dma_start3A_46 : memref<100x64xf32, #tpu.memory_space<vmem>>) offsets(%dma_start3A_49 : memref<100xi32, #tpu.memory_space<vmem>>) semaphore(%arg13 : memref<!tpu.dma_semaphore, #tpu.memory_space<semaphore_mem>>)
      %dma_start3A_53 = arith.constant 3 : i32
      %dma_start3A_54 = arith.constant 300 : i32
      %dma_start3A_55 = arith.constant 0 : i32
      %dma_start3A_56 = tpu.memref_slice %arg11[%dma_start3A_54, %dma_start3A_55] : memref<400x64xf32, #tpu.memory_space<vmem>> -> memref<100x64xf32, #tpu.memory_space<vmem>>
      %dma_start3A_57 = arith.constant 0 : i32
      %dma_start3A_58 = tpu.memref_slice %arg9[%dma_start3A_53, %dma_start3A_57] : memref<4x100xi32, #tpu.memory_space<vmem>> -> memref<1x100xi32, #tpu.memory_space<vmem>>
      %dma_start3A_59 = tpu.memref_squeeze %dma_start3A_58 : memref<1x100xi32, #tpu.memory_space<vmem>> -> memref<100xi32, #tpu.memory_space<vmem>>
      %dma_start3A_60 = arith.constant 0 : i32
      %dma_start3A_61 = arith.constant 0 : i32
      %dma_start3A_62 = tpu.memref_slice %arg2[%dma_start3A_60, %dma_start3A_61] : memref<1000000x64xf32, #tpu.memory_space<hbm>> -> memref<1000000x64xf32, #tpu.memory_space<hbm>>
      tpu.enqueue_indirect_dma source(%dma_start3A_62 : memref<1000000x64xf32, #tpu.memory_space<hbm>>) target(%dma_start3A_56 : memref<100x64xf32, #tpu.memory_space<vmem>>) offsets(%dma_start3A_59 : memref<100xi32, #tpu.memory_space<vmem>>) semaphore(%arg13 : memref<!tpu.dma_semaphore, #tpu.memory_space<semaphore_mem>>)
      %add3A_63 = arith.constant 1 : i32
      %add3A_64 = arith.addi %add3A_23, %add3A_63 : i32
      "tpu.region"() ({
        %run_scoped3A = tpu.sem_alloc : memref<!tpu.dma_semaphore, #tpu.memory_space<semaphore_mem>>
        %dma_start3A_218 = arith.constant 0 : i32
        %dma_start3A_219 = arith.constant 0 : i32
        %dma_start3A_220 = tpu.memref_slice %arg4[%add3A_64, %dma_start3A_218, %dma_start3A_219] : memref<512x4x100xi32, #tpu.memory_space<hbm>> -> memref<1x4x100xi32, #tpu.memory_space<hbm>>
        %dma_start3A_221 = tpu.memref_squeeze %dma_start3A_220 : memref<1x4x100xi32, #tpu.memory_space<hbm>> -> memref<4x100xi32, #tpu.memory_space<hbm>>
        %dma_start3A_222 = arith.constant 0 : i32
        %dma_start3A_223 = arith.constant 0 : i32
        %dma_start3A_224 = tpu.memref_slice %arg4[%add3A_64, %dma_start3A_222, %dma_start3A_223] : memref<512x4x100xi32, #tpu.memory_space<hbm>> -> memref<1x4x100xi32, #tpu.memory_space<hbm>>
        %dma_start3A_225 = tpu.memref_squeeze %dma_start3A_224 : memref<1x4x100xi32, #tpu.memory_space<hbm>> -> memref<4x100xi32, #tpu.memory_space<hbm>>
        tpu.enqueue_dma source(%dma_start3A_225 : memref<4x100xi32, #tpu.memory_space<hbm>>) target(%arg10 : memref<4x100xi32, #tpu.memory_space<vmem>>) target_semaphore(%run_scoped3A : memref<!tpu.dma_semaphore, #tpu.memory_space<semaphore_mem>>)
        %dma_wait3A_226 = arith.constant 0 : i32
        %dma_wait3A_227 = arith.constant 0 : i32
        %dma_wait3A_228 = tpu.memref_slice %arg4[%add3A_64, %dma_wait3A_226, %dma_wait3A_227] : memref<512x4x100xi32, #tpu.memory_space<hbm>> -> memref<1x4x100xi32, #tpu.memory_space<hbm>>
        %dma_wait3A_229 = tpu.memref_squeeze %dma_wait3A_228 : memref<1x4x100xi32, #tpu.memory_space<hbm>> -> memref<4x100xi32, #tpu.memory_space<hbm>>
        %dma_wait3A_230 = arith.constant 0 : i32
        %dma_wait3A_231 = arith.constant 0 : i32
        %dma_wait3A_232 = tpu.memref_slice %arg4[%add3A_64, %dma_wait3A_230, %dma_wait3A_231] : memref<512x4x100xi32, #tpu.memory_space<hbm>> -> memref<1x4x100xi32, #tpu.memory_space<hbm>>
        %dma_wait3A_233 = tpu.memref_squeeze %dma_wait3A_232 : memref<1x4x100xi32, #tpu.memory_space<hbm>> -> memref<4x100xi32, #tpu.memory_space<hbm>>
        tpu.wait_dma2 semaphore(%run_scoped3A : memref<!tpu.dma_semaphore, #tpu.memory_space<semaphore_mem>>) src(%dma_wait3A_233 : memref<4x100xi32, #tpu.memory_space<hbm>>) dst(%arg10 : memref<4x100xi32, #tpu.memory_space<vmem>>)
        tpu.yield
      }) : () -> ()
      %dma_wait3A = arith.constant 0 : i32
      %dma_wait3A_65 = arith.constant 0 : i32
      %dma_wait3A_66 = arith.constant 0 : i32
      %dma_wait3A_67 = tpu.memref_slice %arg11[%dma_wait3A_65, %dma_wait3A_66] : memref<400x64xf32, #tpu.memory_space<vmem>> -> memref<100x64xf32, #tpu.memory_space<vmem>>
      %dma_wait3A_68 = arith.constant 0 : i32
      %dma_wait3A_69 = tpu.memref_slice %arg9[%dma_wait3A, %dma_wait3A_68] : memref<4x100xi32, #tpu.memory_space<vmem>> -> memref<1x100xi32, #tpu.memory_space<vmem>>
      %dma_wait3A_70 = tpu.memref_squeeze %dma_wait3A_69 : memref<1x100xi32, #tpu.memory_space<vmem>> -> memref<100xi32, #tpu.memory_space<vmem>>
      %dma_wait3A_71 = arith.constant 0 : i32
      %dma_wait3A_72 = arith.constant 0 : i32
      %dma_wait3A_73 = tpu.memref_slice %arg2[%dma_wait3A_71, %dma_wait3A_72] : memref<1000000x64xf32, #tpu.memory_space<hbm>> -> memref<1000000x64xf32, #tpu.memory_space<hbm>>
      tpu.wait_indirect_dma semaphore(%arg13 : memref<!tpu.dma_semaphore, #tpu.memory_space<semaphore_mem>>) src(%dma_wait3A_73 : memref<1000000x64xf32, #tpu.memory_space<hbm>>) dst(%dma_wait3A_67 : memref<100x64xf32, #tpu.memory_space<vmem>>)
      %dma_wait3A_74 = arith.constant 1 : i32
      %dma_wait3A_75 = arith.constant 100 : i32
      %dma_wait3A_76 = arith.constant 0 : i32
      %dma_wait3A_77 = tpu.memref_slice %arg11[%dma_wait3A_75, %dma_wait3A_76] : memref<400x64xf32, #tpu.memory_space<vmem>> -> memref<100x64xf32, #tpu.memory_space<vmem>>
      %dma_wait3A_78 = arith.constant 0 : i32
      %dma_wait3A_79 = tpu.memref_slice %arg9[%dma_wait3A_74, %dma_wait3A_78] : memref<4x100xi32, #tpu.memory_space<vmem>> -> memref<1x100xi32, #tpu.memory_space<vmem>>
      %dma_wait3A_80 = tpu.memref_squeeze %dma_wait3A_79 : memref<1x100xi32, #tpu.memory_space<vmem>> -> memref<100xi32, #tpu.memory_space<vmem>>
      %dma_wait3A_81 = arith.constant 0 : i32
      %dma_wait3A_82 = arith.constant 0 : i32
      %dma_wait3A_83 = tpu.memref_slice %arg2[%dma_wait3A_81, %dma_wait3A_82] : memref<1000000x64xf32, #tpu.memory_space<hbm>> -> memref<1000000x64xf32, #tpu.memory_space<hbm>>
      tpu.wait_indirect_dma semaphore(%arg13 : memref<!tpu.dma_semaphore, #tpu.memory_space<semaphore_mem>>) src(%dma_wait3A_83 : memref<1000000x64xf32, #tpu.memory_space<hbm>>) dst(%dma_wait3A_77 : memref<100x64xf32, #tpu.memory_space<vmem>>)
      %dma_wait3A_84 = arith.constant 2 : i32
      %dma_wait3A_85 = arith.constant 200 : i32
      %dma_wait3A_86 = arith.constant 0 : i32
      %dma_wait3A_87 = tpu.memref_slice %arg11[%dma_wait3A_85, %dma_wait3A_86] : memref<400x64xf32, #tpu.memory_space<vmem>> -> memref<100x64xf32, #tpu.memory_space<vmem>>
      %dma_wait3A_88 = arith.constant 0 : i32
      %dma_wait3A_89 = tpu.memref_slice %arg9[%dma_wait3A_84, %dma_wait3A_88] : memref<4x100xi32, #tpu.memory_space<vmem>> -> memref<1x100xi32, #tpu.memory_space<vmem>>
      %dma_wait3A_90 = tpu.memref_squeeze %dma_wait3A_89 : memref<1x100xi32, #tpu.memory_space<vmem>> -> memref<100xi32, #tpu.memory_space<vmem>>
      %dma_wait3A_91 = arith.constant 0 : i32
      %dma_wait3A_92 = arith.constant 0 : i32
      %dma_wait3A_93 = tpu.memref_slice %arg2[%dma_wait3A_91, %dma_wait3A_92] : memref<1000000x64xf32, #tpu.memory_space<hbm>> -> memref<1000000x64xf32, #tpu.memory_space<hbm>>
      tpu.wait_indirect_dma semaphore(%arg13 : memref<!tpu.dma_semaphore, #tpu.memory_space<semaphore_mem>>) src(%dma_wait3A_93 : memref<1000000x64xf32, #tpu.memory_space<hbm>>) dst(%dma_wait3A_87 : memref<100x64xf32, #tpu.memory_space<vmem>>)
      %dma_wait3A_94 = arith.constant 3 : i32
      %dma_wait3A_95 = arith.constant 300 : i32
      %dma_wait3A_96 = arith.constant 0 : i32
      %dma_wait3A_97 = tpu.memref_slice %arg11[%dma_wait3A_95, %dma_wait3A_96] : memref<400x64xf32, #tpu.memory_space<vmem>> -> memref<100x64xf32, #tpu.memory_space<vmem>>
      %dma_wait3A_98 = arith.constant 0 : i32
      %dma_wait3A_99 = tpu.memref_slice %arg9[%dma_wait3A_94, %dma_wait3A_98] : memref<4x100xi32, #tpu.memory_space<vmem>> -> memref<1x100xi32, #tpu.memory_space<vmem>>
      %dma_wait3A_100 = tpu.memref_squeeze %dma_wait3A_99 : memref<1x100xi32, #tpu.memory_space<vmem>> -> memref<100xi32, #tpu.memory_space<vmem>>
      %dma_wait3A_101 = arith.constant 0 : i32
      %dma_wait3A_102 = arith.constant 0 : i32
      %dma_wait3A_103 = tpu.memref_slice %arg2[%dma_wait3A_101, %dma_wait3A_102] : memref<1000000x64xf32, #tpu.memory_space<hbm>> -> memref<1000000x64xf32, #tpu.memory_space<hbm>>
      tpu.wait_indirect_dma semaphore(%arg13 : memref<!tpu.dma_semaphore, #tpu.memory_space<semaphore_mem>>) src(%dma_wait3A_103 : memref<1000000x64xf32, #tpu.memory_space<hbm>>) dst(%dma_wait3A_97 : memref<100x64xf32, #tpu.memory_space<vmem>>)
      %dma_start3A_104 = arith.constant 0 : i32
      %dma_start3A_105 = arith.constant 64 : i32
      %dma_start3A_106 = tpu.memref_slice %arg7[%add3A_23, %dma_start3A_104, %dma_start3A_105] : memref<512x400x128xf32, #tpu.memory_space<hbm>> -> memref<1x400x64xf32, #tpu.memory_space<hbm>>
      %dma_start3A_107 = tpu.memref_squeeze %dma_start3A_106 : memref<1x400x64xf32, #tpu.memory_space<hbm>> -> memref<400x64xf32, #tpu.memory_space<hbm>>
      %dma_start3A_108 = arith.constant 0 : i32
      %dma_start3A_109 = arith.constant 64 : i32
      %dma_start3A_110 = tpu.memref_slice %arg7[%add3A_23, %dma_start3A_108, %dma_start3A_109] : memref<512x400x128xf32, #tpu.memory_space<hbm>> -> memref<1x400x64xf32, #tpu.memory_space<hbm>>
      %dma_start3A_111 = tpu.memref_squeeze %dma_start3A_110 : memref<1x400x64xf32, #tpu.memory_space<hbm>> -> memref<400x64xf32, #tpu.memory_space<hbm>>
      tpu.enqueue_dma source(%arg11 : memref<400x64xf32, #tpu.memory_space<vmem>>) target(%dma_start3A_111 : memref<400x64xf32, #tpu.memory_space<hbm>>) target_semaphore(%arg14 : memref<!tpu.dma_semaphore, #tpu.memory_space<semaphore_mem>>)
      %dma_start3A_112 = arith.constant 0 : i32
      %dma_start3A_113 = arith.constant 0 : i32
      %dma_start3A_114 = arith.constant 0 : i32
      %dma_start3A_115 = tpu.memref_slice %arg12[%dma_start3A_113, %dma_start3A_114] : memref<400x64xf32, #tpu.memory_space<vmem>> -> memref<100x64xf32, #tpu.memory_space<vmem>>
      %dma_start3A_116 = arith.constant 0 : i32
      %dma_start3A_117 = tpu.memref_slice %arg10[%dma_start3A_112, %dma_start3A_116] : memref<4x100xi32, #tpu.memory_space<vmem>> -> memref<1x100xi32, #tpu.memory_space<vmem>>
      %dma_start3A_118 = tpu.memref_squeeze %dma_start3A_117 : memref<1x100xi32, #tpu.memory_space<vmem>> -> memref<100xi32, #tpu.memory_space<vmem>>
      %dma_start3A_119 = arith.constant 0 : i32
      %dma_start3A_120 = arith.constant 0 : i32
      %dma_start3A_121 = tpu.memref_slice %arg2[%dma_start3A_119, %dma_start3A_120] : memref<1000000x64xf32, #tpu.memory_space<hbm>> -> memref<1000000x64xf32, #tpu.memory_space<hbm>>
      tpu.enqueue_indirect_dma source(%dma_start3A_121 : memref<1000000x64xf32, #tpu.memory_space<hbm>>) target(%dma_start3A_115 : memref<100x64xf32, #tpu.memory_space<vmem>>) offsets(%dma_start3A_118 : memref<100xi32, #tpu.memory_space<vmem>>) semaphore(%arg13 : memref<!tpu.dma_semaphore, #tpu.memory_space<semaphore_mem>>)
      %dma_start3A_122 = arith.constant 1 : i32
      %dma_start3A_123 = arith.constant 100 : i32
      %dma_start3A_124 = arith.constant 0 : i32
      %dma_start3A_125 = tpu.memref_slice %arg12[%dma_start3A_123, %dma_start3A_124] : memref<400x64xf32, #tpu.memory_space<vmem>> -> memref<100x64xf32, #tpu.memory_space<vmem>>
      %dma_start3A_126 = arith.constant 0 : i32
      %dma_start3A_127 = tpu.memref_slice %arg10[%dma_start3A_122, %dma_start3A_126] : memref<4x100xi32, #tpu.memory_space<vmem>> -> memref<1x100xi32, #tpu.memory_space<vmem>>
      %dma_start3A_128 = tpu.memref_squeeze %dma_start3A_127 : memref<1x100xi32, #tpu.memory_space<vmem>> -> memref<100xi32, #tpu.memory_space<vmem>>
      %dma_start3A_129 = arith.constant 0 : i32
      %dma_start3A_130 = arith.constant 0 : i32
      %dma_start3A_131 = tpu.memref_slice %arg2[%dma_start3A_129, %dma_start3A_130] : memref<1000000x64xf32, #tpu.memory_space<hbm>> -> memref<1000000x64xf32, #tpu.memory_space<hbm>>
      tpu.enqueue_indirect_dma source(%dma_start3A_131 : memref<1000000x64xf32, #tpu.memory_space<hbm>>) target(%dma_start3A_125 : memref<100x64xf32, #tpu.memory_space<vmem>>) offsets(%dma_start3A_128 : memref<100xi32, #tpu.memory_space<vmem>>) semaphore(%arg13 : memref<!tpu.dma_semaphore, #tpu.memory_space<semaphore_mem>>)
      %dma_start3A_132 = arith.constant 2 : i32
      %dma_start3A_133 = arith.constant 200 : i32
      %dma_start3A_134 = arith.constant 0 : i32
      %dma_start3A_135 = tpu.memref_slice %arg12[%dma_start3A_133, %dma_start3A_134] : memref<400x64xf32, #tpu.memory_space<vmem>> -> memref<100x64xf32, #tpu.memory_space<vmem>>
      %dma_start3A_136 = arith.constant 0 : i32
      %dma_start3A_137 = tpu.memref_slice %arg10[%dma_start3A_132, %dma_start3A_136] : memref<4x100xi32, #tpu.memory_space<vmem>> -> memref<1x100xi32, #tpu.memory_space<vmem>>
      %dma_start3A_138 = tpu.memref_squeeze %dma_start3A_137 : memref<1x100xi32, #tpu.memory_space<vmem>> -> memref<100xi32, #tpu.memory_space<vmem>>
      %dma_start3A_139 = arith.constant 0 : i32
      %dma_start3A_140 = arith.constant 0 : i32
      %dma_start3A_141 = tpu.memref_slice %arg2[%dma_start3A_139, %dma_start3A_140] : memref<1000000x64xf32, #tpu.memory_space<hbm>> -> memref<1000000x64xf32, #tpu.memory_space<hbm>>
      tpu.enqueue_indirect_dma source(%dma_start3A_141 : memref<1000000x64xf32, #tpu.memory_space<hbm>>) target(%dma_start3A_135 : memref<100x64xf32, #tpu.memory_space<vmem>>) offsets(%dma_start3A_138 : memref<100xi32, #tpu.memory_space<vmem>>) semaphore(%arg13 : memref<!tpu.dma_semaphore, #tpu.memory_space<semaphore_mem>>)
      %dma_start3A_142 = arith.constant 3 : i32
      %dma_start3A_143 = arith.constant 300 : i32
      %dma_start3A_144 = arith.constant 0 : i32
      %dma_start3A_145 = tpu.memref_slice %arg12[%dma_start3A_143, %dma_start3A_144] : memref<400x64xf32, #tpu.memory_space<vmem>> -> memref<100x64xf32, #tpu.memory_space<vmem>>
      %dma_start3A_146 = arith.constant 0 : i32
      %dma_start3A_147 = tpu.memref_slice %arg10[%dma_start3A_142, %dma_start3A_146] : memref<4x100xi32, #tpu.memory_space<vmem>> -> memref<1x100xi32, #tpu.memory_space<vmem>>
      %dma_start3A_148 = tpu.memref_squeeze %dma_start3A_147 : memref<1x100xi32, #tpu.memory_space<vmem>> -> memref<100xi32, #tpu.memory_space<vmem>>
      %dma_start3A_149 = arith.constant 0 : i32
      %dma_start3A_150 = arith.constant 0 : i32
      %dma_start3A_151 = tpu.memref_slice %arg2[%dma_start3A_149, %dma_start3A_150] : memref<1000000x64xf32, #tpu.memory_space<hbm>> -> memref<1000000x64xf32, #tpu.memory_space<hbm>>
      tpu.enqueue_indirect_dma source(%dma_start3A_151 : memref<1000000x64xf32, #tpu.memory_space<hbm>>) target(%dma_start3A_145 : memref<100x64xf32, #tpu.memory_space<vmem>>) offsets(%dma_start3A_148 : memref<100xi32, #tpu.memory_space<vmem>>) semaphore(%arg13 : memref<!tpu.dma_semaphore, #tpu.memory_space<semaphore_mem>>)
      %dma_wait3A_152 = arith.constant 0 : i32
      %dma_wait3A_153 = arith.constant 0 : i32
      %dma_wait3A_154 = arith.constant 0 : i32
      %dma_wait3A_155 = tpu.memref_slice %arg12[%dma_wait3A_153, %dma_wait3A_154] : memref<400x64xf32, #tpu.memory_space<vmem>> -> memref<100x64xf32, #tpu.memory_space<vmem>>
      %dma_wait3A_156 = arith.constant 0 : i32
      %dma_wait3A_157 = tpu.memref_slice %arg10[%dma_wait3A_152, %dma_wait3A_156] : memref<4x100xi32, #tpu.memory_space<vmem>> -> memref<1x100xi32, #tpu.memory_space<vmem>>
      %dma_wait3A_158 = tpu.memref_squeeze %dma_wait3A_157 : memref<1x100xi32, #tpu.memory_space<vmem>> -> memref<100xi32, #tpu.memory_space<vmem>>
      %dma_wait3A_159 = arith.constant 0 : i32
      %dma_wait3A_160 = arith.constant 0 : i32
      %dma_wait3A_161 = tpu.memref_slice %arg2[%dma_wait3A_159, %dma_wait3A_160] : memref<1000000x64xf32, #tpu.memory_space<hbm>> -> memref<1000000x64xf32, #tpu.memory_space<hbm>>
      tpu.wait_indirect_dma semaphore(%arg13 : memref<!tpu.dma_semaphore, #tpu.memory_space<semaphore_mem>>) src(%dma_wait3A_161 : memref<1000000x64xf32, #tpu.memory_space<hbm>>) dst(%dma_wait3A_155 : memref<100x64xf32, #tpu.memory_space<vmem>>)
      %dma_wait3A_162 = arith.constant 1 : i32
      %dma_wait3A_163 = arith.constant 100 : i32
      %dma_wait3A_164 = arith.constant 0 : i32
      %dma_wait3A_165 = tpu.memref_slice %arg12[%dma_wait3A_163, %dma_wait3A_164] : memref<400x64xf32, #tpu.memory_space<vmem>> -> memref<100x64xf32, #tpu.memory_space<vmem>>
      %dma_wait3A_166 = arith.constant 0 : i32
      %dma_wait3A_167 = tpu.memref_slice %arg10[%dma_wait3A_162, %dma_wait3A_166] : memref<4x100xi32, #tpu.memory_space<vmem>> -> memref<1x100xi32, #tpu.memory_space<vmem>>
      %dma_wait3A_168 = tpu.memref_squeeze %dma_wait3A_167 : memref<1x100xi32, #tpu.memory_space<vmem>> -> memref<100xi32, #tpu.memory_space<vmem>>
      %dma_wait3A_169 = arith.constant 0 : i32
      %dma_wait3A_170 = arith.constant 0 : i32
      %dma_wait3A_171 = tpu.memref_slice %arg2[%dma_wait3A_169, %dma_wait3A_170] : memref<1000000x64xf32, #tpu.memory_space<hbm>> -> memref<1000000x64xf32, #tpu.memory_space<hbm>>
      tpu.wait_indirect_dma semaphore(%arg13 : memref<!tpu.dma_semaphore, #tpu.memory_space<semaphore_mem>>) src(%dma_wait3A_171 : memref<1000000x64xf32, #tpu.memory_space<hbm>>) dst(%dma_wait3A_165 : memref<100x64xf32, #tpu.memory_space<vmem>>)
      %dma_wait3A_172 = arith.constant 2 : i32
      %dma_wait3A_173 = arith.constant 200 : i32
      %dma_wait3A_174 = arith.constant 0 : i32
      %dma_wait3A_175 = tpu.memref_slice %arg12[%dma_wait3A_173, %dma_wait3A_174] : memref<400x64xf32, #tpu.memory_space<vmem>> -> memref<100x64xf32, #tpu.memory_space<vmem>>
      %dma_wait3A_176 = arith.constant 0 : i32
      %dma_wait3A_177 = tpu.memref_slice %arg10[%dma_wait3A_172, %dma_wait3A_176] : memref<4x100xi32, #tpu.memory_space<vmem>> -> memref<1x100xi32, #tpu.memory_space<vmem>>
      %dma_wait3A_178 = tpu.memref_squeeze %dma_wait3A_177 : memref<1x100xi32, #tpu.memory_space<vmem>> -> memref<100xi32, #tpu.memory_space<vmem>>
      %dma_wait3A_179 = arith.constant 0 : i32
      %dma_wait3A_180 = arith.constant 0 : i32
      %dma_wait3A_181 = tpu.memref_slice %arg2[%dma_wait3A_179, %dma_wait3A_180] : memref<1000000x64xf32, #tpu.memory_space<hbm>> -> memref<1000000x64xf32, #tpu.memory_space<hbm>>
      tpu.wait_indirect_dma semaphore(%arg13 : memref<!tpu.dma_semaphore, #tpu.memory_space<semaphore_mem>>) src(%dma_wait3A_181 : memref<1000000x64xf32, #tpu.memory_space<hbm>>) dst(%dma_wait3A_175 : memref<100x64xf32, #tpu.memory_space<vmem>>)
      %dma_wait3A_182 = arith.constant 3 : i32
      %dma_wait3A_183 = arith.constant 300 : i32
      %dma_wait3A_184 = arith.constant 0 : i32
      %dma_wait3A_185 = tpu.memref_slice %arg12[%dma_wait3A_183, %dma_wait3A_184] : memref<400x64xf32, #tpu.memory_space<vmem>> -> memref<100x64xf32, #tpu.memory_space<vmem>>
      %dma_wait3A_186 = arith.constant 0 : i32
      %dma_wait3A_187 = tpu.memref_slice %arg10[%dma_wait3A_182, %dma_wait3A_186] : memref<4x100xi32, #tpu.memory_space<vmem>> -> memref<1x100xi32, #tpu.memory_space<vmem>>
      %dma_wait3A_188 = tpu.memref_squeeze %dma_wait3A_187 : memref<1x100xi32, #tpu.memory_space<vmem>> -> memref<100xi32, #tpu.memory_space<vmem>>
      %dma_wait3A_189 = arith.constant 0 : i32
      %dma_wait3A_190 = arith.constant 0 : i32
      %dma_wait3A_191 = tpu.memref_slice %arg2[%dma_wait3A_189, %dma_wait3A_190] : memref<1000000x64xf32, #tpu.memory_space<hbm>> -> memref<1000000x64xf32, #tpu.memory_space<hbm>>
      tpu.wait_indirect_dma semaphore(%arg13 : memref<!tpu.dma_semaphore, #tpu.memory_space<semaphore_mem>>) src(%dma_wait3A_191 : memref<1000000x64xf32, #tpu.memory_space<hbm>>) dst(%dma_wait3A_185 : memref<100x64xf32, #tpu.memory_space<vmem>>)
      %add3A_192 = arith.constant 1 : i32
      %add3A_193 = arith.addi %add3A_23, %add3A_192 : i32
      %dma_start3A_194 = arith.constant 0 : i32
      %dma_start3A_195 = arith.constant 64 : i32
      %dma_start3A_196 = tpu.memref_slice %arg7[%add3A_193, %dma_start3A_194, %dma_start3A_195] : memref<512x400x128xf32, #tpu.memory_space<hbm>> -> memref<1x400x64xf32, #tpu.memory_space<hbm>>
      %dma_start3A_197 = tpu.memref_squeeze %dma_start3A_196 : memref<1x400x64xf32, #tpu.memory_space<hbm>> -> memref<400x64xf32, #tpu.memory_space<hbm>>
      %dma_start3A_198 = arith.constant 0 : i32
      %dma_start3A_199 = arith.constant 64 : i32
      %dma_start3A_200 = tpu.memref_slice %arg7[%add3A_193, %dma_start3A_198, %dma_start3A_199] : memref<512x400x128xf32, #tpu.memory_space<hbm>> -> memref<1x400x64xf32, #tpu.memory_space<hbm>>
      %dma_start3A_201 = tpu.memref_squeeze %dma_start3A_200 : memref<1x400x64xf32, #tpu.memory_space<hbm>> -> memref<400x64xf32, #tpu.memory_space<hbm>>
      tpu.enqueue_dma source(%arg12 : memref<400x64xf32, #tpu.memory_space<vmem>>) target(%dma_start3A_201 : memref<400x64xf32, #tpu.memory_space<hbm>>) target_semaphore(%arg14 : memref<!tpu.dma_semaphore, #tpu.memory_space<semaphore_mem>>)
      %dma_wait3A_202 = arith.constant 0 : i32
      %dma_wait3A_203 = arith.constant 64 : i32
      %dma_wait3A_204 = tpu.memref_slice %arg7[%add3A_23, %dma_wait3A_202, %dma_wait3A_203] : memref<512x400x128xf32, #tpu.memory_space<hbm>> -> memref<1x400x64xf32, #tpu.memory_space<hbm>>
      %dma_wait3A_205 = tpu.memref_squeeze %dma_wait3A_204 : memref<1x400x64xf32, #tpu.memory_space<hbm>> -> memref<400x64xf32, #tpu.memory_space<hbm>>
      %dma_wait3A_206 = arith.constant 0 : i32
      %dma_wait3A_207 = arith.constant 64 : i32
      %dma_wait3A_208 = tpu.memref_slice %arg7[%add3A_23, %dma_wait3A_206, %dma_wait3A_207] : memref<512x400x128xf32, #tpu.memory_space<hbm>> -> memref<1x400x64xf32, #tpu.memory_space<hbm>>
      %dma_wait3A_209 = tpu.memref_squeeze %dma_wait3A_208 : memref<1x400x64xf32, #tpu.memory_space<hbm>> -> memref<400x64xf32, #tpu.memory_space<hbm>>
      tpu.wait_dma2 semaphore(%arg14 : memref<!tpu.dma_semaphore, #tpu.memory_space<semaphore_mem>>) src(%arg11 : memref<400x64xf32, #tpu.memory_space<vmem>>) dst(%dma_wait3A_209 : memref<400x64xf32, #tpu.memory_space<hbm>>)
      %dma_wait3A_210 = arith.constant 0 : i32
      %dma_wait3A_211 = arith.constant 64 : i32
      %dma_wait3A_212 = tpu.memref_slice %arg7[%add3A_193, %dma_wait3A_210, %dma_wait3A_211] : memref<512x400x128xf32, #tpu.memory_space<hbm>> -> memref<1x400x64xf32, #tpu.memory_space<hbm>>
      %dma_wait3A_213 = tpu.memref_squeeze %dma_wait3A_212 : memref<1x400x64xf32, #tpu.memory_space<hbm>> -> memref<400x64xf32, #tpu.memory_space<hbm>>
      %dma_wait3A_214 = arith.constant 0 : i32
      %dma_wait3A_215 = arith.constant 64 : i32
      %dma_wait3A_216 = tpu.memref_slice %arg7[%add3A_193, %dma_wait3A_214, %dma_wait3A_215] : memref<512x400x128xf32, #tpu.memory_space<hbm>> -> memref<1x400x64xf32, #tpu.memory_space<hbm>>
      %dma_wait3A_217 = tpu.memref_squeeze %dma_wait3A_216 : memref<1x400x64xf32, #tpu.memory_space<hbm>> -> memref<400x64xf32, #tpu.memory_space<hbm>>
      tpu.wait_dma2 semaphore(%arg14 : memref<!tpu.dma_semaphore, #tpu.memory_space<semaphore_mem>>) src(%arg12 : memref<400x64xf32, #tpu.memory_space<vmem>>) dst(%dma_wait3A_217 : memref<400x64xf32, #tpu.memory_space<hbm>>)
    }
    %scan3A_11 = arith.constant 8 : i32
    %scan3A_12 = arith.constant 0 : i32
    %scan3A_13 = arith.constant 0 : i32
    %scan3A_14 = arith.constant 8 : i32
    %scan3A_15 = arith.addi %scan3A_13, %scan3A_14 : i32
    %scan3A_16 = arith.constant 1 : i32
    scf.for %scan3A_18 = %scan3A_13 to %scan3A_15 step %scan3A_16  : i32 {
      %mul3A_19 = arith.constant 16 : i32
      %mul3A_20 = arith.muli %add3A, %mul3A_19 : i32
      %mul3A_21 = arith.constant 2 : i32
      %mul3A_22 = arith.muli %mul3A_21, %scan3A_18 : i32
      %add3A_23 = arith.addi %mul3A_20, %mul3A_22 : i32
      "tpu.region"() ({
        %run_scoped3A = tpu.sem_alloc : memref<!tpu.dma_semaphore, #tpu.memory_space<semaphore_mem>>
        %dma_start3A_218 = arith.constant 0 : i32
        %dma_start3A_219 = arith.constant 0 : i32
        %dma_start3A_220 = tpu.memref_slice %arg6[%add3A_23, %dma_start3A_218, %dma_start3A_219] : memref<512x4x100xi32, #tpu.memory_space<hbm>> -> memref<1x4x100xi32, #tpu.memory_space<hbm>>
        %dma_start3A_221 = tpu.memref_squeeze %dma_start3A_220 : memref<1x4x100xi32, #tpu.memory_space<hbm>> -> memref<4x100xi32, #tpu.memory_space<hbm>>
        %dma_start3A_222 = arith.constant 0 : i32
        %dma_start3A_223 = arith.constant 0 : i32
        %dma_start3A_224 = tpu.memref_slice %arg6[%add3A_23, %dma_start3A_222, %dma_start3A_223] : memref<512x4x100xi32, #tpu.memory_space<hbm>> -> memref<1x4x100xi32, #tpu.memory_space<hbm>>
        %dma_start3A_225 = tpu.memref_squeeze %dma_start3A_224 : memref<1x4x100xi32, #tpu.memory_space<hbm>> -> memref<4x100xi32, #tpu.memory_space<hbm>>
        tpu.enqueue_dma source(%dma_start3A_225 : memref<4x100xi32, #tpu.memory_space<hbm>>) target(%arg9 : memref<4x100xi32, #tpu.memory_space<vmem>>) target_semaphore(%run_scoped3A : memref<!tpu.dma_semaphore, #tpu.memory_space<semaphore_mem>>)
        %dma_wait3A_226 = arith.constant 0 : i32
        %dma_wait3A_227 = arith.constant 0 : i32
        %dma_wait3A_228 = tpu.memref_slice %arg6[%add3A_23, %dma_wait3A_226, %dma_wait3A_227] : memref<512x4x100xi32, #tpu.memory_space<hbm>> -> memref<1x4x100xi32, #tpu.memory_space<hbm>>
        %dma_wait3A_229 = tpu.memref_squeeze %dma_wait3A_228 : memref<1x4x100xi32, #tpu.memory_space<hbm>> -> memref<4x100xi32, #tpu.memory_space<hbm>>
        %dma_wait3A_230 = arith.constant 0 : i32
        %dma_wait3A_231 = arith.constant 0 : i32
        %dma_wait3A_232 = tpu.memref_slice %arg6[%add3A_23, %dma_wait3A_230, %dma_wait3A_231] : memref<512x4x100xi32, #tpu.memory_space<hbm>> -> memref<1x4x100xi32, #tpu.memory_space<hbm>>
        %dma_wait3A_233 = tpu.memref_squeeze %dma_wait3A_232 : memref<1x4x100xi32, #tpu.memory_space<hbm>> -> memref<4x100xi32, #tpu.memory_space<hbm>>
        tpu.wait_dma2 semaphore(%run_scoped3A : memref<!tpu.dma_semaphore, #tpu.memory_space<semaphore_mem>>) src(%dma_wait3A_233 : memref<4x100xi32, #tpu.memory_space<hbm>>) dst(%arg9 : memref<4x100xi32, #tpu.memory_space<vmem>>)
        tpu.yield
      }) : () -> ()
      %dma_start3A = arith.constant 0 : i32
      %dma_start3A_24 = arith.constant 0 : i32
      %dma_start3A_25 = arith.constant 0 : i32
      %dma_start3A_26 = tpu.memref_slice %arg11[%dma_start3A_24, %dma_start3A_25] : memref<400x64xf32, #tpu.memory_space<vmem>> -> memref<100x64xf32, #tpu.memory_space<vmem>>
      %dma_start3A_27 = arith.constant 0 : i32
      %dma_start3A_28 = tpu.memref_slice %arg9[%dma_start3A, %dma_start3A_27] : memref<4x100xi32, #tpu.memory_space<vmem>> -> memref<1x100xi32, #tpu.memory_space<vmem>>
      %dma_start3A_29 = tpu.memref_squeeze %dma_start3A_28 : memref<1x100xi32, #tpu.memory_space<vmem>> -> memref<100xi32, #tpu.memory_space<vmem>>
      %dma_start3A_30 = arith.constant 0 : i32
      %dma_start3A_31 = arith.constant 0 : i32
      %dma_start3A_32 = tpu.memref_slice %arg5[%dma_start3A_30, %dma_start3A_31] : memref<1216x64xf32, #tpu.memory_space<hbm>> -> memref<1216x64xf32, #tpu.memory_space<hbm>>
      tpu.enqueue_indirect_dma source(%dma_start3A_32 : memref<1216x64xf32, #tpu.memory_space<hbm>>) target(%dma_start3A_26 : memref<100x64xf32, #tpu.memory_space<vmem>>) offsets(%dma_start3A_29 : memref<100xi32, #tpu.memory_space<vmem>>) semaphore(%arg13 : memref<!tpu.dma_semaphore, #tpu.memory_space<semaphore_mem>>)
      %dma_start3A_33 = arith.constant 1 : i32
      %dma_start3A_34 = arith.constant 100 : i32
      %dma_start3A_35 = arith.constant 0 : i32
      %dma_start3A_36 = tpu.memref_slice %arg11[%dma_start3A_34, %dma_start3A_35] : memref<400x64xf32, #tpu.memory_space<vmem>> -> memref<100x64xf32, #tpu.memory_space<vmem>>
      %dma_start3A_37 = arith.constant 0 : i32
      %dma_start3A_38 = tpu.memref_slice %arg9[%dma_start3A_33, %dma_start3A_37] : memref<4x100xi32, #tpu.memory_space<vmem>> -> memref<1x100xi32, #tpu.memory_space<vmem>>
      %dma_start3A_39 = tpu.memref_squeeze %dma_start3A_38 : memref<1x100xi32, #tpu.memory_space<vmem>> -> memref<100xi32, #tpu.memory_space<vmem>>
      %dma_start3A_40 = arith.constant 0 : i32
      %dma_start3A_41 = arith.constant 0 : i32
      %dma_start3A_42 = tpu.memref_slice %arg5[%dma_start3A_40, %dma_start3A_41] : memref<1216x64xf32, #tpu.memory_space<hbm>> -> memref<1216x64xf32, #tpu.memory_space<hbm>>
      tpu.enqueue_indirect_dma source(%dma_start3A_42 : memref<1216x64xf32, #tpu.memory_space<hbm>>) target(%dma_start3A_36 : memref<100x64xf32, #tpu.memory_space<vmem>>) offsets(%dma_start3A_39 : memref<100xi32, #tpu.memory_space<vmem>>) semaphore(%arg13 : memref<!tpu.dma_semaphore, #tpu.memory_space<semaphore_mem>>)
      %dma_start3A_43 = arith.constant 2 : i32
      %dma_start3A_44 = arith.constant 200 : i32
      %dma_start3A_45 = arith.constant 0 : i32
      %dma_start3A_46 = tpu.memref_slice %arg11[%dma_start3A_44, %dma_start3A_45] : memref<400x64xf32, #tpu.memory_space<vmem>> -> memref<100x64xf32, #tpu.memory_space<vmem>>
      %dma_start3A_47 = arith.constant 0 : i32
      %dma_start3A_48 = tpu.memref_slice %arg9[%dma_start3A_43, %dma_start3A_47] : memref<4x100xi32, #tpu.memory_space<vmem>> -> memref<1x100xi32, #tpu.memory_space<vmem>>
      %dma_start3A_49 = tpu.memref_squeeze %dma_start3A_48 : memref<1x100xi32, #tpu.memory_space<vmem>> -> memref<100xi32, #tpu.memory_space<vmem>>
      %dma_start3A_50 = arith.constant 0 : i32
      %dma_start3A_51 = arith.constant 0 : i32
      %dma_start3A_52 = tpu.memref_slice %arg5[%dma_start3A_50, %dma_start3A_51] : memref<1216x64xf32, #tpu.memory_space<hbm>> -> memref<1216x64xf32, #tpu.memory_space<hbm>>
      tpu.enqueue_indirect_dma source(%dma_start3A_52 : memref<1216x64xf32, #tpu.memory_space<hbm>>) target(%dma_start3A_46 : memref<100x64xf32, #tpu.memory_space<vmem>>) offsets(%dma_start3A_49 : memref<100xi32, #tpu.memory_space<vmem>>) semaphore(%arg13 : memref<!tpu.dma_semaphore, #tpu.memory_space<semaphore_mem>>)
      %dma_start3A_53 = arith.constant 3 : i32
      %dma_start3A_54 = arith.constant 300 : i32
      %dma_start3A_55 = arith.constant 0 : i32
      %dma_start3A_56 = tpu.memref_slice %arg11[%dma_start3A_54, %dma_start3A_55] : memref<400x64xf32, #tpu.memory_space<vmem>> -> memref<100x64xf32, #tpu.memory_space<vmem>>
      %dma_start3A_57 = arith.constant 0 : i32
      %dma_start3A_58 = tpu.memref_slice %arg9[%dma_start3A_53, %dma_start3A_57] : memref<4x100xi32, #tpu.memory_space<vmem>> -> memref<1x100xi32, #tpu.memory_space<vmem>>
      %dma_start3A_59 = tpu.memref_squeeze %dma_start3A_58 : memref<1x100xi32, #tpu.memory_space<vmem>> -> memref<100xi32, #tpu.memory_space<vmem>>
      %dma_start3A_60 = arith.constant 0 : i32
      %dma_start3A_61 = arith.constant 0 : i32
      %dma_start3A_62 = tpu.memref_slice %arg5[%dma_start3A_60, %dma_start3A_61] : memref<1216x64xf32, #tpu.memory_space<hbm>> -> memref<1216x64xf32, #tpu.memory_space<hbm>>
      tpu.enqueue_indirect_dma source(%dma_start3A_62 : memref<1216x64xf32, #tpu.memory_space<hbm>>) target(%dma_start3A_56 : memref<100x64xf32, #tpu.memory_space<vmem>>) offsets(%dma_start3A_59 : memref<100xi32, #tpu.memory_space<vmem>>) semaphore(%arg13 : memref<!tpu.dma_semaphore, #tpu.memory_space<semaphore_mem>>)
      %add3A_63 = arith.constant 1 : i32
      %add3A_64 = arith.addi %add3A_23, %add3A_63 : i32
      "tpu.region"() ({
        %run_scoped3A = tpu.sem_alloc : memref<!tpu.dma_semaphore, #tpu.memory_space<semaphore_mem>>
        %dma_start3A_218 = arith.constant 0 : i32
        %dma_start3A_219 = arith.constant 0 : i32
        %dma_start3A_220 = tpu.memref_slice %arg6[%add3A_64, %dma_start3A_218, %dma_start3A_219] : memref<512x4x100xi32, #tpu.memory_space<hbm>> -> memref<1x4x100xi32, #tpu.memory_space<hbm>>
        %dma_start3A_221 = tpu.memref_squeeze %dma_start3A_220 : memref<1x4x100xi32, #tpu.memory_space<hbm>> -> memref<4x100xi32, #tpu.memory_space<hbm>>
        %dma_start3A_222 = arith.constant 0 : i32
        %dma_start3A_223 = arith.constant 0 : i32
        %dma_start3A_224 = tpu.memref_slice %arg6[%add3A_64, %dma_start3A_222, %dma_start3A_223] : memref<512x4x100xi32, #tpu.memory_space<hbm>> -> memref<1x4x100xi32, #tpu.memory_space<hbm>>
        %dma_start3A_225 = tpu.memref_squeeze %dma_start3A_224 : memref<1x4x100xi32, #tpu.memory_space<hbm>> -> memref<4x100xi32, #tpu.memory_space<hbm>>
        tpu.enqueue_dma source(%dma_start3A_225 : memref<4x100xi32, #tpu.memory_space<hbm>>) target(%arg10 : memref<4x100xi32, #tpu.memory_space<vmem>>) target_semaphore(%run_scoped3A : memref<!tpu.dma_semaphore, #tpu.memory_space<semaphore_mem>>)
        %dma_wait3A_226 = arith.constant 0 : i32
        %dma_wait3A_227 = arith.constant 0 : i32
        %dma_wait3A_228 = tpu.memref_slice %arg6[%add3A_64, %dma_wait3A_226, %dma_wait3A_227] : memref<512x4x100xi32, #tpu.memory_space<hbm>> -> memref<1x4x100xi32, #tpu.memory_space<hbm>>
        %dma_wait3A_229 = tpu.memref_squeeze %dma_wait3A_228 : memref<1x4x100xi32, #tpu.memory_space<hbm>> -> memref<4x100xi32, #tpu.memory_space<hbm>>
        %dma_wait3A_230 = arith.constant 0 : i32
        %dma_wait3A_231 = arith.constant 0 : i32
        %dma_wait3A_232 = tpu.memref_slice %arg6[%add3A_64, %dma_wait3A_230, %dma_wait3A_231] : memref<512x4x100xi32, #tpu.memory_space<hbm>> -> memref<1x4x100xi32, #tpu.memory_space<hbm>>
        %dma_wait3A_233 = tpu.memref_squeeze %dma_wait3A_232 : memref<1x4x100xi32, #tpu.memory_space<hbm>> -> memref<4x100xi32, #tpu.memory_space<hbm>>
        tpu.wait_dma2 semaphore(%run_scoped3A : memref<!tpu.dma_semaphore, #tpu.memory_space<semaphore_mem>>) src(%dma_wait3A_233 : memref<4x100xi32, #tpu.memory_space<hbm>>) dst(%arg10 : memref<4x100xi32, #tpu.memory_space<vmem>>)
        tpu.yield
      }) : () -> ()
      %dma_wait3A = arith.constant 0 : i32
      %dma_wait3A_65 = arith.constant 0 : i32
      %dma_wait3A_66 = arith.constant 0 : i32
      %dma_wait3A_67 = tpu.memref_slice %arg11[%dma_wait3A_65, %dma_wait3A_66] : memref<400x64xf32, #tpu.memory_space<vmem>> -> memref<100x64xf32, #tpu.memory_space<vmem>>
      %dma_wait3A_68 = arith.constant 0 : i32
      %dma_wait3A_69 = tpu.memref_slice %arg9[%dma_wait3A, %dma_wait3A_68] : memref<4x100xi32, #tpu.memory_space<vmem>> -> memref<1x100xi32, #tpu.memory_space<vmem>>
      %dma_wait3A_70 = tpu.memref_squeeze %dma_wait3A_69 : memref<1x100xi32, #tpu.memory_space<vmem>> -> memref<100xi32, #tpu.memory_space<vmem>>
      %dma_wait3A_71 = arith.constant 0 : i32
      %dma_wait3A_72 = arith.constant 0 : i32
      %dma_wait3A_73 = tpu.memref_slice %arg5[%dma_wait3A_71, %dma_wait3A_72] : memref<1216x64xf32, #tpu.memory_space<hbm>> -> memref<1216x64xf32, #tpu.memory_space<hbm>>
      tpu.wait_indirect_dma semaphore(%arg13 : memref<!tpu.dma_semaphore, #tpu.memory_space<semaphore_mem>>) src(%dma_wait3A_73 : memref<1216x64xf32, #tpu.memory_space<hbm>>) dst(%dma_wait3A_67 : memref<100x64xf32, #tpu.memory_space<vmem>>)
      %dma_wait3A_74 = arith.constant 1 : i32
      %dma_wait3A_75 = arith.constant 100 : i32
      %dma_wait3A_76 = arith.constant 0 : i32
      %dma_wait3A_77 = tpu.memref_slice %arg11[%dma_wait3A_75, %dma_wait3A_76] : memref<400x64xf32, #tpu.memory_space<vmem>> -> memref<100x64xf32, #tpu.memory_space<vmem>>
      %dma_wait3A_78 = arith.constant 0 : i32
      %dma_wait3A_79 = tpu.memref_slice %arg9[%dma_wait3A_74, %dma_wait3A_78] : memref<4x100xi32, #tpu.memory_space<vmem>> -> memref<1x100xi32, #tpu.memory_space<vmem>>
      %dma_wait3A_80 = tpu.memref_squeeze %dma_wait3A_79 : memref<1x100xi32, #tpu.memory_space<vmem>> -> memref<100xi32, #tpu.memory_space<vmem>>
      %dma_wait3A_81 = arith.constant 0 : i32
      %dma_wait3A_82 = arith.constant 0 : i32
      %dma_wait3A_83 = tpu.memref_slice %arg5[%dma_wait3A_81, %dma_wait3A_82] : memref<1216x64xf32, #tpu.memory_space<hbm>> -> memref<1216x64xf32, #tpu.memory_space<hbm>>
      tpu.wait_indirect_dma semaphore(%arg13 : memref<!tpu.dma_semaphore, #tpu.memory_space<semaphore_mem>>) src(%dma_wait3A_83 : memref<1216x64xf32, #tpu.memory_space<hbm>>) dst(%dma_wait3A_77 : memref<100x64xf32, #tpu.memory_space<vmem>>)
      %dma_wait3A_84 = arith.constant 2 : i32
      %dma_wait3A_85 = arith.constant 200 : i32
      %dma_wait3A_86 = arith.constant 0 : i32
      %dma_wait3A_87 = tpu.memref_slice %arg11[%dma_wait3A_85, %dma_wait3A_86] : memref<400x64xf32, #tpu.memory_space<vmem>> -> memref<100x64xf32, #tpu.memory_space<vmem>>
      %dma_wait3A_88 = arith.constant 0 : i32
      %dma_wait3A_89 = tpu.memref_slice %arg9[%dma_wait3A_84, %dma_wait3A_88] : memref<4x100xi32, #tpu.memory_space<vmem>> -> memref<1x100xi32, #tpu.memory_space<vmem>>
      %dma_wait3A_90 = tpu.memref_squeeze %dma_wait3A_89 : memref<1x100xi32, #tpu.memory_space<vmem>> -> memref<100xi32, #tpu.memory_space<vmem>>
      %dma_wait3A_91 = arith.constant 0 : i32
      %dma_wait3A_92 = arith.constant 0 : i32
      %dma_wait3A_93 = tpu.memref_slice %arg5[%dma_wait3A_91, %dma_wait3A_92] : memref<1216x64xf32, #tpu.memory_space<hbm>> -> memref<1216x64xf32, #tpu.memory_space<hbm>>
      tpu.wait_indirect_dma semaphore(%arg13 : memref<!tpu.dma_semaphore, #tpu.memory_space<semaphore_mem>>) src(%dma_wait3A_93 : memref<1216x64xf32, #tpu.memory_space<hbm>>) dst(%dma_wait3A_87 : memref<100x64xf32, #tpu.memory_space<vmem>>)
      %dma_wait3A_94 = arith.constant 3 : i32
      %dma_wait3A_95 = arith.constant 300 : i32
      %dma_wait3A_96 = arith.constant 0 : i32
      %dma_wait3A_97 = tpu.memref_slice %arg11[%dma_wait3A_95, %dma_wait3A_96] : memref<400x64xf32, #tpu.memory_space<vmem>> -> memref<100x64xf32, #tpu.memory_space<vmem>>
      %dma_wait3A_98 = arith.constant 0 : i32
      %dma_wait3A_99 = tpu.memref_slice %arg9[%dma_wait3A_94, %dma_wait3A_98] : memref<4x100xi32, #tpu.memory_space<vmem>> -> memref<1x100xi32, #tpu.memory_space<vmem>>
      %dma_wait3A_100 = tpu.memref_squeeze %dma_wait3A_99 : memref<1x100xi32, #tpu.memory_space<vmem>> -> memref<100xi32, #tpu.memory_space<vmem>>
      %dma_wait3A_101 = arith.constant 0 : i32
      %dma_wait3A_102 = arith.constant 0 : i32
      %dma_wait3A_103 = tpu.memref_slice %arg5[%dma_wait3A_101, %dma_wait3A_102] : memref<1216x64xf32, #tpu.memory_space<hbm>> -> memref<1216x64xf32, #tpu.memory_space<hbm>>
      tpu.wait_indirect_dma semaphore(%arg13 : memref<!tpu.dma_semaphore, #tpu.memory_space<semaphore_mem>>) src(%dma_wait3A_103 : memref<1216x64xf32, #tpu.memory_space<hbm>>) dst(%dma_wait3A_97 : memref<100x64xf32, #tpu.memory_space<vmem>>)
      %dma_start3A_104 = arith.constant 0 : i32
      %dma_start3A_105 = arith.constant 0 : i32
      %dma_start3A_106 = tpu.memref_slice %arg8[%add3A_23, %dma_start3A_104, %dma_start3A_105] : memref<512x400x128xf32, #tpu.memory_space<hbm>> -> memref<1x400x64xf32, #tpu.memory_space<hbm>>
      %dma_start3A_107 = tpu.memref_squeeze %dma_start3A_106 : memref<1x400x64xf32, #tpu.memory_space<hbm>> -> memref<400x64xf32, #tpu.memory_space<hbm>>
      %dma_start3A_108 = arith.constant 0 : i32
      %dma_start3A_109 = arith.constant 0 : i32
      %dma_start3A_110 = tpu.memref_slice %arg8[%add3A_23, %dma_start3A_108, %dma_start3A_109] : memref<512x400x128xf32, #tpu.memory_space<hbm>> -> memref<1x400x64xf32, #tpu.memory_space<hbm>>
      %dma_start3A_111 = tpu.memref_squeeze %dma_start3A_110 : memref<1x400x64xf32, #tpu.memory_space<hbm>> -> memref<400x64xf32, #tpu.memory_space<hbm>>
      tpu.enqueue_dma source(%arg11 : memref<400x64xf32, #tpu.memory_space<vmem>>) target(%dma_start3A_111 : memref<400x64xf32, #tpu.memory_space<hbm>>) target_semaphore(%arg14 : memref<!tpu.dma_semaphore, #tpu.memory_space<semaphore_mem>>)
      %dma_start3A_112 = arith.constant 0 : i32
      %dma_start3A_113 = arith.constant 0 : i32
      %dma_start3A_114 = arith.constant 0 : i32
      %dma_start3A_115 = tpu.memref_slice %arg12[%dma_start3A_113, %dma_start3A_114] : memref<400x64xf32, #tpu.memory_space<vmem>> -> memref<100x64xf32, #tpu.memory_space<vmem>>
      %dma_start3A_116 = arith.constant 0 : i32
      %dma_start3A_117 = tpu.memref_slice %arg10[%dma_start3A_112, %dma_start3A_116] : memref<4x100xi32, #tpu.memory_space<vmem>> -> memref<1x100xi32, #tpu.memory_space<vmem>>
      %dma_start3A_118 = tpu.memref_squeeze %dma_start3A_117 : memref<1x100xi32, #tpu.memory_space<vmem>> -> memref<100xi32, #tpu.memory_space<vmem>>
      %dma_start3A_119 = arith.constant 0 : i32
      %dma_start3A_120 = arith.constant 0 : i32
      %dma_start3A_121 = tpu.memref_slice %arg5[%dma_start3A_119, %dma_start3A_120] : memref<1216x64xf32, #tpu.memory_space<hbm>> -> memref<1216x64xf32, #tpu.memory_space<hbm>>
      tpu.enqueue_indirect_dma source(%dma_start3A_121 : memref<1216x64xf32, #tpu.memory_space<hbm>>) target(%dma_start3A_115 : memref<100x64xf32, #tpu.memory_space<vmem>>) offsets(%dma_start3A_118 : memref<100xi32, #tpu.memory_space<vmem>>) semaphore(%arg13 : memref<!tpu.dma_semaphore, #tpu.memory_space<semaphore_mem>>)
      %dma_start3A_122 = arith.constant 1 : i32
      %dma_start3A_123 = arith.constant 100 : i32
      %dma_start3A_124 = arith.constant 0 : i32
      %dma_start3A_125 = tpu.memref_slice %arg12[%dma_start3A_123, %dma_start3A_124] : memref<400x64xf32, #tpu.memory_space<vmem>> -> memref<100x64xf32, #tpu.memory_space<vmem>>
      %dma_start3A_126 = arith.constant 0 : i32
      %dma_start3A_127 = tpu.memref_slice %arg10[%dma_start3A_122, %dma_start3A_126] : memref<4x100xi32, #tpu.memory_space<vmem>> -> memref<1x100xi32, #tpu.memory_space<vmem>>
      %dma_start3A_128 = tpu.memref_squeeze %dma_start3A_127 : memref<1x100xi32, #tpu.memory_space<vmem>> -> memref<100xi32, #tpu.memory_space<vmem>>
      %dma_start3A_129 = arith.constant 0 : i32
      %dma_start3A_130 = arith.constant 0 : i32
      %dma_start3A_131 = tpu.memref_slice %arg5[%dma_start3A_129, %dma_start3A_130] : memref<1216x64xf32, #tpu.memory_space<hbm>> -> memref<1216x64xf32, #tpu.memory_space<hbm>>
      tpu.enqueue_indirect_dma source(%dma_start3A_131 : memref<1216x64xf32, #tpu.memory_space<hbm>>) target(%dma_start3A_125 : memref<100x64xf32, #tpu.memory_space<vmem>>) offsets(%dma_start3A_128 : memref<100xi32, #tpu.memory_space<vmem>>) semaphore(%arg13 : memref<!tpu.dma_semaphore, #tpu.memory_space<semaphore_mem>>)
      %dma_start3A_132 = arith.constant 2 : i32
      %dma_start3A_133 = arith.constant 200 : i32
      %dma_start3A_134 = arith.constant 0 : i32
      %dma_start3A_135 = tpu.memref_slice %arg12[%dma_start3A_133, %dma_start3A_134] : memref<400x64xf32, #tpu.memory_space<vmem>> -> memref<100x64xf32, #tpu.memory_space<vmem>>
      %dma_start3A_136 = arith.constant 0 : i32
      %dma_start3A_137 = tpu.memref_slice %arg10[%dma_start3A_132, %dma_start3A_136] : memref<4x100xi32, #tpu.memory_space<vmem>> -> memref<1x100xi32, #tpu.memory_space<vmem>>
      %dma_start3A_138 = tpu.memref_squeeze %dma_start3A_137 : memref<1x100xi32, #tpu.memory_space<vmem>> -> memref<100xi32, #tpu.memory_space<vmem>>
      %dma_start3A_139 = arith.constant 0 : i32
      %dma_start3A_140 = arith.constant 0 : i32
      %dma_start3A_141 = tpu.memref_slice %arg5[%dma_start3A_139, %dma_start3A_140] : memref<1216x64xf32, #tpu.memory_space<hbm>> -> memref<1216x64xf32, #tpu.memory_space<hbm>>
      tpu.enqueue_indirect_dma source(%dma_start3A_141 : memref<1216x64xf32, #tpu.memory_space<hbm>>) target(%dma_start3A_135 : memref<100x64xf32, #tpu.memory_space<vmem>>) offsets(%dma_start3A_138 : memref<100xi32, #tpu.memory_space<vmem>>) semaphore(%arg13 : memref<!tpu.dma_semaphore, #tpu.memory_space<semaphore_mem>>)
      %dma_start3A_142 = arith.constant 3 : i32
      %dma_start3A_143 = arith.constant 300 : i32
      %dma_start3A_144 = arith.constant 0 : i32
      %dma_start3A_145 = tpu.memref_slice %arg12[%dma_start3A_143, %dma_start3A_144] : memref<400x64xf32, #tpu.memory_space<vmem>> -> memref<100x64xf32, #tpu.memory_space<vmem>>
      %dma_start3A_146 = arith.constant 0 : i32
      %dma_start3A_147 = tpu.memref_slice %arg10[%dma_start3A_142, %dma_start3A_146] : memref<4x100xi32, #tpu.memory_space<vmem>> -> memref<1x100xi32, #tpu.memory_space<vmem>>
      %dma_start3A_148 = tpu.memref_squeeze %dma_start3A_147 : memref<1x100xi32, #tpu.memory_space<vmem>> -> memref<100xi32, #tpu.memory_space<vmem>>
      %dma_start3A_149 = arith.constant 0 : i32
      %dma_start3A_150 = arith.constant 0 : i32
      %dma_start3A_151 = tpu.memref_slice %arg5[%dma_start3A_149, %dma_start3A_150] : memref<1216x64xf32, #tpu.memory_space<hbm>> -> memref<1216x64xf32, #tpu.memory_space<hbm>>
      tpu.enqueue_indirect_dma source(%dma_start3A_151 : memref<1216x64xf32, #tpu.memory_space<hbm>>) target(%dma_start3A_145 : memref<100x64xf32, #tpu.memory_space<vmem>>) offsets(%dma_start3A_148 : memref<100xi32, #tpu.memory_space<vmem>>) semaphore(%arg13 : memref<!tpu.dma_semaphore, #tpu.memory_space<semaphore_mem>>)
      %dma_wait3A_152 = arith.constant 0 : i32
      %dma_wait3A_153 = arith.constant 0 : i32
      %dma_wait3A_154 = arith.constant 0 : i32
      %dma_wait3A_155 = tpu.memref_slice %arg12[%dma_wait3A_153, %dma_wait3A_154] : memref<400x64xf32, #tpu.memory_space<vmem>> -> memref<100x64xf32, #tpu.memory_space<vmem>>
      %dma_wait3A_156 = arith.constant 0 : i32
      %dma_wait3A_157 = tpu.memref_slice %arg10[%dma_wait3A_152, %dma_wait3A_156] : memref<4x100xi32, #tpu.memory_space<vmem>> -> memref<1x100xi32, #tpu.memory_space<vmem>>
      %dma_wait3A_158 = tpu.memref_squeeze %dma_wait3A_157 : memref<1x100xi32, #tpu.memory_space<vmem>> -> memref<100xi32, #tpu.memory_space<vmem>>
      %dma_wait3A_159 = arith.constant 0 : i32
      %dma_wait3A_160 = arith.constant 0 : i32
      %dma_wait3A_161 = tpu.memref_slice %arg5[%dma_wait3A_159, %dma_wait3A_160] : memref<1216x64xf32, #tpu.memory_space<hbm>> -> memref<1216x64xf32, #tpu.memory_space<hbm>>
      tpu.wait_indirect_dma semaphore(%arg13 : memref<!tpu.dma_semaphore, #tpu.memory_space<semaphore_mem>>) src(%dma_wait3A_161 : memref<1216x64xf32, #tpu.memory_space<hbm>>) dst(%dma_wait3A_155 : memref<100x64xf32, #tpu.memory_space<vmem>>)
      %dma_wait3A_162 = arith.constant 1 : i32
      %dma_wait3A_163 = arith.constant 100 : i32
      %dma_wait3A_164 = arith.constant 0 : i32
      %dma_wait3A_165 = tpu.memref_slice %arg12[%dma_wait3A_163, %dma_wait3A_164] : memref<400x64xf32, #tpu.memory_space<vmem>> -> memref<100x64xf32, #tpu.memory_space<vmem>>
      %dma_wait3A_166 = arith.constant 0 : i32
      %dma_wait3A_167 = tpu.memref_slice %arg10[%dma_wait3A_162, %dma_wait3A_166] : memref<4x100xi32, #tpu.memory_space<vmem>> -> memref<1x100xi32, #tpu.memory_space<vmem>>
      %dma_wait3A_168 = tpu.memref_squeeze %dma_wait3A_167 : memref<1x100xi32, #tpu.memory_space<vmem>> -> memref<100xi32, #tpu.memory_space<vmem>>
      %dma_wait3A_169 = arith.constant 0 : i32
      %dma_wait3A_170 = arith.constant 0 : i32
      %dma_wait3A_171 = tpu.memref_slice %arg5[%dma_wait3A_169, %dma_wait3A_170] : memref<1216x64xf32, #tpu.memory_space<hbm>> -> memref<1216x64xf32, #tpu.memory_space<hbm>>
      tpu.wait_indirect_dma semaphore(%arg13 : memref<!tpu.dma_semaphore, #tpu.memory_space<semaphore_mem>>) src(%dma_wait3A_171 : memref<1216x64xf32, #tpu.memory_space<hbm>>) dst(%dma_wait3A_165 : memref<100x64xf32, #tpu.memory_space<vmem>>)
      %dma_wait3A_172 = arith.constant 2 : i32
      %dma_wait3A_173 = arith.constant 200 : i32
      %dma_wait3A_174 = arith.constant 0 : i32
      %dma_wait3A_175 = tpu.memref_slice %arg12[%dma_wait3A_173, %dma_wait3A_174] : memref<400x64xf32, #tpu.memory_space<vmem>> -> memref<100x64xf32, #tpu.memory_space<vmem>>
      %dma_wait3A_176 = arith.constant 0 : i32
      %dma_wait3A_177 = tpu.memref_slice %arg10[%dma_wait3A_172, %dma_wait3A_176] : memref<4x100xi32, #tpu.memory_space<vmem>> -> memref<1x100xi32, #tpu.memory_space<vmem>>
      %dma_wait3A_178 = tpu.memref_squeeze %dma_wait3A_177 : memref<1x100xi32, #tpu.memory_space<vmem>> -> memref<100xi32, #tpu.memory_space<vmem>>
      %dma_wait3A_179 = arith.constant 0 : i32
      %dma_wait3A_180 = arith.constant 0 : i32
      %dma_wait3A_181 = tpu.memref_slice %arg5[%dma_wait3A_179, %dma_wait3A_180] : memref<1216x64xf32, #tpu.memory_space<hbm>> -> memref<1216x64xf32, #tpu.memory_space<hbm>>
      tpu.wait_indirect_dma semaphore(%arg13 : memref<!tpu.dma_semaphore, #tpu.memory_space<semaphore_mem>>) src(%dma_wait3A_181 : memref<1216x64xf32, #tpu.memory_space<hbm>>) dst(%dma_wait3A_175 : memref<100x64xf32, #tpu.memory_space<vmem>>)
      %dma_wait3A_182 = arith.constant 3 : i32
      %dma_wait3A_183 = arith.constant 300 : i32
      %dma_wait3A_184 = arith.constant 0 : i32
      %dma_wait3A_185 = tpu.memref_slice %arg12[%dma_wait3A_183, %dma_wait3A_184] : memref<400x64xf32, #tpu.memory_space<vmem>> -> memref<100x64xf32, #tpu.memory_space<vmem>>
      %dma_wait3A_186 = arith.constant 0 : i32
      %dma_wait3A_187 = tpu.memref_slice %arg10[%dma_wait3A_182, %dma_wait3A_186] : memref<4x100xi32, #tpu.memory_space<vmem>> -> memref<1x100xi32, #tpu.memory_space<vmem>>
      %dma_wait3A_188 = tpu.memref_squeeze %dma_wait3A_187 : memref<1x100xi32, #tpu.memory_space<vmem>> -> memref<100xi32, #tpu.memory_space<vmem>>
      %dma_wait3A_189 = arith.constant 0 : i32
      %dma_wait3A_190 = arith.constant 0 : i32
      %dma_wait3A_191 = tpu.memref_slice %arg5[%dma_wait3A_189, %dma_wait3A_190] : memref<1216x64xf32, #tpu.memory_space<hbm>> -> memref<1216x64xf32, #tpu.memory_space<hbm>>
      tpu.wait_indirect_dma semaphore(%arg13 : memref<!tpu.dma_semaphore, #tpu.memory_space<semaphore_mem>>) src(%dma_wait3A_191 : memref<1216x64xf32, #tpu.memory_space<hbm>>) dst(%dma_wait3A_185 : memref<100x64xf32, #tpu.memory_space<vmem>>)
      %add3A_192 = arith.constant 1 : i32
      %add3A_193 = arith.addi %add3A_23, %add3A_192 : i32
      %dma_start3A_194 = arith.constant 0 : i32
      %dma_start3A_195 = arith.constant 0 : i32
      %dma_start3A_196 = tpu.memref_slice %arg8[%add3A_193, %dma_start3A_194, %dma_start3A_195] : memref<512x400x128xf32, #tpu.memory_space<hbm>> -> memref<1x400x64xf32, #tpu.memory_space<hbm>>
      %dma_start3A_197 = tpu.memref_squeeze %dma_start3A_196 : memref<1x400x64xf32, #tpu.memory_space<hbm>> -> memref<400x64xf32, #tpu.memory_space<hbm>>
      %dma_start3A_198 = arith.constant 0 : i32
      %dma_start3A_199 = arith.constant 0 : i32
      %dma_start3A_200 = tpu.memref_slice %arg8[%add3A_193, %dma_start3A_198, %dma_start3A_199] : memref<512x400x128xf32, #tpu.memory_space<hbm>> -> memref<1x400x64xf32, #tpu.memory_space<hbm>>
      %dma_start3A_201 = tpu.memref_squeeze %dma_start3A_200 : memref<1x400x64xf32, #tpu.memory_space<hbm>> -> memref<400x64xf32, #tpu.memory_space<hbm>>
      tpu.enqueue_dma source(%arg12 : memref<400x64xf32, #tpu.memory_space<vmem>>) target(%dma_start3A_201 : memref<400x64xf32, #tpu.memory_space<hbm>>) target_semaphore(%arg14 : memref<!tpu.dma_semaphore, #tpu.memory_space<semaphore_mem>>)
      %dma_wait3A_202 = arith.constant 0 : i32
      %dma_wait3A_203 = arith.constant 0 : i32
      %dma_wait3A_204 = tpu.memref_slice %arg8[%add3A_23, %dma_wait3A_202, %dma_wait3A_203] : memref<512x400x128xf32, #tpu.memory_space<hbm>> -> memref<1x400x64xf32, #tpu.memory_space<hbm>>
      %dma_wait3A_205 = tpu.memref_squeeze %dma_wait3A_204 : memref<1x400x64xf32, #tpu.memory_space<hbm>> -> memref<400x64xf32, #tpu.memory_space<hbm>>
      %dma_wait3A_206 = arith.constant 0 : i32
      %dma_wait3A_207 = arith.constant 0 : i32
      %dma_wait3A_208 = tpu.memref_slice %arg8[%add3A_23, %dma_wait3A_206, %dma_wait3A_207] : memref<512x400x128xf32, #tpu.memory_space<hbm>> -> memref<1x400x64xf32, #tpu.memory_space<hbm>>
      %dma_wait3A_209 = tpu.memref_squeeze %dma_wait3A_208 : memref<1x400x64xf32, #tpu.memory_space<hbm>> -> memref<400x64xf32, #tpu.memory_space<hbm>>
      tpu.wait_dma2 semaphore(%arg14 : memref<!tpu.dma_semaphore, #tpu.memory_space<semaphore_mem>>) src(%arg11 : memref<400x64xf32, #tpu.memory_space<vmem>>) dst(%dma_wait3A_209 : memref<400x64xf32, #tpu.memory_space<hbm>>)
      %dma_wait3A_210 = arith.constant 0 : i32
      %dma_wait3A_211 = arith.constant 0 : i32
      %dma_wait3A_212 = tpu.memref_slice %arg8[%add3A_193, %dma_wait3A_210, %dma_wait3A_211] : memref<512x400x128xf32, #tpu.memory_space<hbm>> -> memref<1x400x64xf32, #tpu.memory_space<hbm>>
      %dma_wait3A_213 = tpu.memref_squeeze %dma_wait3A_212 : memref<1x400x64xf32, #tpu.memory_space<hbm>> -> memref<400x64xf32, #tpu.memory_space<hbm>>
      %dma_wait3A_214 = arith.constant 0 : i32
      %dma_wait3A_215 = arith.constant 0 : i32
      %dma_wait3A_216 = tpu.memref_slice %arg8[%add3A_193, %dma_wait3A_214, %dma_wait3A_215] : memref<512x400x128xf32, #tpu.memory_space<hbm>> -> memref<1x400x64xf32, #tpu.memory_space<hbm>>
      %dma_wait3A_217 = tpu.memref_squeeze %dma_wait3A_216 : memref<1x400x64xf32, #tpu.memory_space<hbm>> -> memref<400x64xf32, #tpu.memory_space<hbm>>
      tpu.wait_dma2 semaphore(%arg14 : memref<!tpu.dma_semaphore, #tpu.memory_space<semaphore_mem>>) src(%arg12 : memref<400x64xf32, #tpu.memory_space<vmem>>) dst(%dma_wait3A_217 : memref<400x64xf32, #tpu.memory_space<hbm>>)
    }
    %scan3A_17 = arith.constant 8 : i32
    return
  }
}

module attributes {stable_mosaic.version = 14 : i64} {
  func.func @_relfull_body(%arg0: memref<1216x64xf32, #tpu.memory_space<vmem>>, %arg1: memref<1216x64xf32, #tpu.memory_space<vmem>>) attributes {dimension_semantics = [], scalar_prefetch = 0 : i64, scratch_operands = 0 : i64, tpu.core_type = #tpu.core_type<tc>} {
    %get3A = arith.constant 0 : index
    %get3A_0 = arith.constant 0 : index
    %get3A_1 = vector.load %arg0[%get3A, %get3A_0] : memref<1216x64xf32, #tpu.memory_space<vmem>>, vector<1216x64xf32>
    %iota3A = tpu.iota {dimensions = array<i32: 0>} : vector<1216x1216xi32>
    %iota3A_2 = tpu.iota {dimensions = array<i32: 1>} : vector<1216x1216xi32>
    %sub3A = arith.constant 34 : i32
    %sub3A_3 = vector.broadcast %sub3A : i32 to vector<1216x1216xi32>
    %sub3A_4 = arith.subi %iota3A, %sub3A_3 : vector<1216x1216xi32>
    %max3A = arith.constant 0 : i32
    %max3A_5 = vector.broadcast %max3A : i32 to vector<1216x1216xi32>
    %max3A_6 = arith.maxsi %sub3A_4, %max3A_5 : vector<1216x1216xi32>
    %jit3A = arith.constant 34 : i32
    %div3A = vector.broadcast %jit3A : i32 to vector<1216x1216xi32>
    %div3A_7 = arith.divsi %max3A_6, %div3A : vector<1216x1216xi32>
    %sign3A = arith.constant 0 : i32
    %sign3A_8 = vector.broadcast %sign3A : i32 to vector<1216x1216xi32>
    %sign3A_9 = arith.cmpi sgt, %max3A_6, %sign3A_8 : vector<1216x1216xi32>
    %sign3A_10 = arith.extui %sign3A_9 : vector<1216x1216xi1> to vector<1216x1216xi32>
    %sign3A_11 = arith.constant 0 : i32
    %sign3A_12 = vector.broadcast %sign3A_11 : i32 to vector<1216x1216xi32>
    %sign3A_13 = arith.cmpi slt, %max3A_6, %sign3A_12 : vector<1216x1216xi32>
    %sign3A_14 = arith.extui %sign3A_13 : vector<1216x1216xi1> to vector<1216x1216xi32>
    %sign3A_15 = arith.subi %sign3A_10, %sign3A_14 : vector<1216x1216xi32>
    %sign3A_16 = arith.constant 0 : i32
    %sign3A_17 = arith.cmpi sgt, %jit3A, %sign3A_16 : i32
    %sign3A_18 = arith.extui %sign3A_17 : i1 to i32
    %sign3A_19 = arith.constant 0 : i32
    %sign3A_20 = arith.cmpi slt, %jit3A, %sign3A_19 : i32
    %sign3A_21 = arith.extui %sign3A_20 : i1 to i32
    %sign3A_22 = arith.subi %sign3A_18, %sign3A_21 : i32
    %ne3A = vector.broadcast %sign3A_22 : i32 to vector<1216x1216xi32>
    %ne3A_23 = arith.cmpi ne, %sign3A_15, %ne3A : vector<1216x1216xi32>
    %rem3A = vector.broadcast %jit3A : i32 to vector<1216x1216xi32>
    %rem3A_24 = arith.remsi %max3A_6, %rem3A : vector<1216x1216xi32>
    %ne3A_25 = arith.constant 0 : i32
    %ne3A_26 = vector.broadcast %ne3A_25 : i32 to vector<1216x1216xi32>
    %ne3A_27 = arith.cmpi ne, %rem3A_24, %ne3A_26 : vector<1216x1216xi32>
    %and3A = arith.andi %ne3A_23, %ne3A_27 : vector<1216x1216xi1>
    %sub3A_28 = arith.constant 1 : i32
    %sub3A_29 = vector.broadcast %sub3A_28 : i32 to vector<1216x1216xi32>
    %sub3A_30 = arith.subi %div3A_7, %sub3A_29 : vector<1216x1216xi32>
    %select_n3A = arith.select %and3A, %sub3A_30, %div3A_7 : vector<1216x1216xi1>, vector<1216x1216xi32>
    %mul3A = arith.constant 34 : i32
    %mul3A_31 = vector.broadcast %mul3A : i32 to vector<1216x1216xi32>
    %mul3A_32 = arith.muli %select_n3A, %mul3A_31 : vector<1216x1216xi32>
    %sub3A_33 = arith.subi %max3A_6, %mul3A_32 : vector<1216x1216xi32>
    %eq3A = arith.cmpi eq, %iota3A_2, %select_n3A : vector<1216x1216xi32>
    %convert_element_type3A = arith.extui %eq3A : vector<1216x1216xi1> to vector<1216x1216xi32>
    %convert_element_type3A_34 = arith.sitofp %convert_element_type3A : vector<1216x1216xi32> to vector<1216x1216xf32>
    %eq3A_35 = arith.cmpi eq, %iota3A_2, %sub3A_33 : vector<1216x1216xi32>
    %convert_element_type3A_36 = arith.extui %eq3A_35 : vector<1216x1216xi1> to vector<1216x1216xi32>
    %convert_element_type3A_37 = arith.sitofp %convert_element_type3A_36 : vector<1216x1216xi32> to vector<1216x1216xf32>
    %dot_general3A = arith.constant dense<0.000000e+00> : vector<1216x64xf32>
    %dot_general3A_38 = tpu.matmul %convert_element_type3A_34, %get3A_1, %dot_general3A {dimension_numbers = #tpu.dot_dimension_numbers<[1], [0], [0], [1], [0, 0, 1, 1], [], []>, precision = #tpu.contract_precision<fp32>, transpose_lhs_hint = false} : vector<1216x1216xf32>, vector<1216x64xf32>, vector<1216x64xf32> -> vector<1216x64xf32>
    %dot_general3A_39 = arith.constant dense<0.000000e+00> : vector<1216x64xf32>
    %dot_general3A_40 = tpu.matmul %convert_element_type3A_37, %get3A_1, %dot_general3A_39 {dimension_numbers = #tpu.dot_dimension_numbers<[1], [0], [0], [1], [0, 0, 1, 1], [], []>, precision = #tpu.contract_precision<fp32>, transpose_lhs_hint = false} : vector<1216x1216xf32>, vector<1216x64xf32>, vector<1216x64xf32> -> vector<1216x64xf32>
    %mul3A_41 = arith.mulf %dot_general3A_38, %dot_general3A_40 : vector<1216x64xf32>
    %iota3A_42 = tpu.iota {dimensions = array<i32: 0>} : vector<1216x1xi32>
    %lt3A = arith.constant 34 : i32
    %lt3A_43 = vector.broadcast %lt3A : i32 to vector<1216x1xi32>
    %lt3A_44 = arith.cmpi slt, %iota3A_42, %lt3A_43 : vector<1216x1xi32>
    %broadcast_in_dim3A = vector.shape_cast %lt3A_44 : vector<1216x1xi1> to vector<1216x1xi1>
    %broadcast_in_dim3A_45 = vector.broadcast %broadcast_in_dim3A : vector<1216x1xi1> to vector<1216x64xi1>
    %select_n3A_46 = arith.select %broadcast_in_dim3A_45, %get3A_1, %mul3A_41 : vector<1216x64xi1>, vector<1216x64xf32>
    %swap3A = arith.constant 0 : index
    %swap3A_47 = arith.constant 0 : index
    %swap3A_48 = vector.load %arg1[%swap3A, %swap3A_47] : memref<1216x64xf32, #tpu.memory_space<vmem>>, vector<1216x64xf32>
    tpu.vector_store %arg1[%swap3A, %swap3A_47], %select_n3A_46 {strides = array<i32>} : memref<1216x64xf32, #tpu.memory_space<vmem>>, vector<1216x64xf32>,
    return
  }
}

module attributes {stable_mosaic.version = 14 : i64} {
  func.func @_mlp_body(%arg0: i32, %arg1: memref<6400x128xf32, #tpu.memory_space<vmem>>, %arg2: memref<6400x128xf32, #tpu.memory_space<vmem>>, %arg3: memref<1x32x1xi32, #tpu.memory_space<vmem>>, %arg4: memref<32x768xf32, #tpu.memory_space<vmem>>, %arg5: memref<128x256xf32, #tpu.memory_space<vmem>>, %arg6: memref<64x256xf32, #tpu.memory_space<vmem>>, %arg7: memref<1x256xf32, #tpu.memory_space<vmem>>, %arg8: memref<1x256xf32, #tpu.memory_space<vmem>>, %arg9: memref<1x256xf32, #tpu.memory_space<vmem>>, %arg10: memref<256x128xf32, #tpu.memory_space<vmem>>, %arg11: memref<1x128xf32, #tpu.memory_space<vmem>>, %arg12: memref<768x256xf32, #tpu.memory_space<vmem>>, %arg13: memref<128x256xf32, #tpu.memory_space<vmem>>, %arg14: memref<1x256xf32, #tpu.memory_space<vmem>>, %arg15: memref<1x256xf32, #tpu.memory_space<vmem>>, %arg16: memref<1x256xf32, #tpu.memory_space<vmem>>, %arg17: memref<256x128xf32, #tpu.memory_space<vmem>>, %arg18: memref<1x128xf32, #tpu.memory_space<vmem>>, %arg19: memref<32x128xf32, #tpu.memory_space<vmem>>) attributes {dimension_semantics = [#tpu.dimension_semantics<arbitrary>], iteration_bounds = array<i64: 32>, scalar_prefetch = 0 : i64, scratch_operands = 0 : i64, tpu.core_type = #tpu.core_type<tc>, window_params = [{transform_indices = @transform_0, window_bounds = array<i64: 6400, 128>}, {transform_indices = @transform_1, window_bounds = array<i64: 6400, 128>}, {transform_indices = @transform_2, window_bounds = array<i64: 1, 32, 1>}, {transform_indices = @transform_3, window_bounds = array<i64: 32, 768>}, {pipeline_mode = #tpu.pipeline_mode<synchronous>, transform_indices = @transform_4, window_bounds = array<i64: 128, 256>}, {pipeline_mode = #tpu.pipeline_mode<synchronous>, transform_indices = @transform_5, window_bounds = array<i64: 64, 256>}, {pipeline_mode = #tpu.pipeline_mode<synchronous>, transform_indices = @transform_6, window_bounds = array<i64: 1, 256>}, {pipeline_mode = #tpu.pipeline_mode<synchronous>, transform_indices = @transform_7, window_bounds = array<i64: 1, 256>}, {pipeline_mode = #tpu.pipeline_mode<synchronous>, transform_indices = @transform_8, window_bounds = array<i64: 1, 256>}, {pipeline_mode = #tpu.pipeline_mode<synchronous>, transform_indices = @transform_9, window_bounds = array<i64: 256, 128>}, {pipeline_mode = #tpu.pipeline_mode<synchronous>, transform_indices = @transform_10, window_bounds = array<i64: 1, 128>}, {pipeline_mode = #tpu.pipeline_mode<synchronous>, transform_indices = @transform_11, window_bounds = array<i64: 768, 256>}, {pipeline_mode = #tpu.pipeline_mode<synchronous>, transform_indices = @transform_12, window_bounds = array<i64: 128, 256>}, {pipeline_mode = #tpu.pipeline_mode<synchronous>, transform_indices = @transform_13, window_bounds = array<i64: 1, 256>}, {pipeline_mode = #tpu.pipeline_mode<synchronous>, transform_indices = @transform_14, window_bounds = array<i64: 1, 256>}, {pipeline_mode = #tpu.pipeline_mode<synchronous>, transform_indices = @transform_15, window_bounds = array<i64: 1, 256>}, {pipeline_mode = #tpu.pipeline_mode<synchronous>, transform_indices = @transform_16, window_bounds = array<i64: 256, 128>}, {pipeline_mode = #tpu.pipeline_mode<synchronous>, transform_indices = @transform_17, window_bounds = array<i64: 1, 128>}, {transform_indices = @transform_18, window_bounds = array<i64: 32, 128>}]} {
    %get3A = arith.constant 0 : index
    %get3A_0 = arith.constant 0 : index
    %get3A_1 = vector.load %arg1[%get3A, %get3A_0] : memref<6400x128xf32, #tpu.memory_space<vmem>>, vector<6400x128xf32>
    %get3A_2 = arith.constant 0 : index
    %get3A_3 = arith.constant 0 : index
    %get3A_4 = vector.load %arg5[%get3A_2, %get3A_3] : memref<128x256xf32, #tpu.memory_space<vmem>>, vector<128x256xf32>
    %dot_general3A = arith.constant dense<0.000000e+00> : vector<6400x256xf32>
    %dot_general3A_5 = tpu.matmul %get3A_1, %get3A_4, %dot_general3A {dimension_numbers = #tpu.dot_dimension_numbers<[1], [0], [0], [1], [0, 0, 1, 1], [], []>, transpose_lhs_hint = false} : vector<6400x128xf32>, vector<128x256xf32>, vector<6400x256xf32> -> vector<6400x256xf32>
    %get3A_6 = arith.constant 0 : index
    %get3A_7 = arith.constant 0 : index
    %get3A_8 = vector.load %arg2[%get3A_6, %get3A_7] : memref<6400x128xf32, #tpu.memory_space<vmem>>, vector<6400x64xf32>
    %get3A_9 = arith.constant 0 : index
    %get3A_10 = arith.constant 0 : index
    %get3A_11 = vector.load %arg6[%get3A_9, %get3A_10] : memref<64x256xf32, #tpu.memory_space<vmem>>, vector<64x256xf32>
    %dot_general3A_12 = arith.constant dense<0.000000e+00> : vector<6400x256xf32>
    %dot_general3A_13 = tpu.matmul %get3A_8, %get3A_11, %dot_general3A_12 {dimension_numbers = #tpu.dot_dimension_numbers<[1], [0], [0], [1], [0, 0, 1, 1], [], []>, transpose_lhs_hint = false} : vector<6400x64xf32>, vector<64x256xf32>, vector<6400x256xf32> -> vector<6400x256xf32>
    %add3A = arith.addf %dot_general3A_5, %dot_general3A_13 : vector<6400x256xf32>
    %get3A_14 = arith.constant 0 : index
    %get3A_15 = arith.constant 0 : index
    %get3A_16 = vector.load %arg7[%get3A_14, %get3A_15] : memref<1x256xf32, #tpu.memory_space<vmem>>, vector<1x256xf32>
    %add3A_17 = vector.broadcast %get3A_16 : vector<1x256xf32> to vector<6400x256xf32>
    %add3A_18 = arith.addf %add3A, %add3A_17 : vector<6400x256xf32>
    %reduce_sum3A = arith.constant dense<0.000000e+00> : vector<6400xf32>
    %reduce_sum3A_19 = vector.multi_reduction <add>, %add3A_18, %reduce_sum3A [1] : vector<6400x256xf32> to vector<6400xf32>
    %broadcast_in_dim3A = vector.shape_cast %reduce_sum3A_19 : vector<6400xf32> to vector<6400x1xf32>
    %div3A = arith.constant 2.560000e+02 : f32
    %div3A_20 = vector.broadcast %div3A : f32 to vector<6400x1xf32>
    %div3A_21 = arith.divf %broadcast_in_dim3A, %div3A_20 : vector<6400x1xf32>
    %sub3A = vector.broadcast %div3A_21 : vector<6400x1xf32> to vector<6400x256xf32>
    %sub3A_22 = arith.subf %add3A_18, %sub3A : vector<6400x256xf32>
    %sub3A_23 = vector.broadcast %div3A_21 : vector<6400x1xf32> to vector<6400x256xf32>
    %sub3A_24 = arith.subf %add3A_18, %sub3A_23 : vector<6400x256xf32>
    %mul3A = arith.mulf %sub3A_22, %sub3A_24 : vector<6400x256xf32>
    %reduce_sum3A_25 = arith.constant dense<0.000000e+00> : vector<6400xf32>
    %reduce_sum3A_26 = vector.multi_reduction <add>, %mul3A, %reduce_sum3A_25 [1] : vector<6400x256xf32> to vector<6400xf32>
    %broadcast_in_dim3A_27 = vector.shape_cast %reduce_sum3A_26 : vector<6400xf32> to vector<6400x1xf32>
    %div3A_28 = arith.constant 2.560000e+02 : f32
    %div3A_29 = vector.broadcast %div3A_28 : f32 to vector<6400x1xf32>
    %div3A_30 = arith.divf %broadcast_in_dim3A_27, %div3A_29 : vector<6400x1xf32>
    %sub3A_31 = vector.broadcast %div3A_21 : vector<6400x1xf32> to vector<6400x256xf32>
    %sub3A_32 = arith.subf %add3A_18, %sub3A_31 : vector<6400x256xf32>
    %add3A_33 = arith.constant 9.99999974E-6 : f32
    %add3A_34 = vector.broadcast %add3A_33 : f32 to vector<6400x1xf32>
    %add3A_35 = arith.addf %div3A_30, %add3A_34 : vector<6400x1xf32>
    %sqrt3A = math.sqrt %add3A_35 : vector<6400x1xf32>
    %div3A_36 = vector.broadcast %sqrt3A : vector<6400x1xf32> to vector<6400x256xf32>
    %div3A_37 = arith.divf %sub3A_32, %div3A_36 : vector<6400x256xf32>
    %get3A_38 = arith.constant 0 : index
    %get3A_39 = arith.constant 0 : index
    %get3A_40 = vector.load %arg8[%get3A_38, %get3A_39] : memref<1x256xf32, #tpu.memory_space<vmem>>, vector<1x256xf32>
    %mul3A_41 = vector.broadcast %get3A_40 : vector<1x256xf32> to vector<6400x256xf32>
    %mul3A_42 = arith.mulf %div3A_37, %mul3A_41 : vector<6400x256xf32>
    %get3A_43 = arith.constant 0 : index
    %get3A_44 = arith.constant 0 : index
    %get3A_45 = vector.load %arg9[%get3A_43, %get3A_44] : memref<1x256xf32, #tpu.memory_space<vmem>>, vector<1x256xf32>
    %add3A_46 = vector.broadcast %get3A_45 : vector<1x256xf32> to vector<6400x256xf32>
    %add3A_47 = arith.addf %mul3A_42, %add3A_46 : vector<6400x256xf32>
    %mul3A_48 = arith.constant 5.000000e-01 : f32
    %mul3A_49 = vector.broadcast %mul3A_48 : f32 to vector<6400x256xf32>
    %mul3A_50 = arith.mulf %mul3A_49, %add3A_47 : vector<6400x256xf32>
    %mul3A_51 = arith.constant 0.707106769 : f32
    %mul3A_52 = vector.broadcast %mul3A_51 : f32 to vector<6400x256xf32>
    %mul3A_53 = arith.mulf %add3A_47, %mul3A_52 : vector<6400x256xf32>
    %erf3A = math.erf %mul3A_53 : vector<6400x256xf32>
    %add3A_54 = arith.constant 1.000000e+00 : f32
    %add3A_55 = vector.broadcast %add3A_54 : f32 to vector<6400x256xf32>
    %add3A_56 = arith.addf %add3A_55, %erf3A : vector<6400x256xf32>
    %mul3A_57 = arith.mulf %mul3A_50, %add3A_56 : vector<6400x256xf32>
    %get3A_58 = arith.constant 0 : index
    %get3A_59 = arith.constant 0 : index
    %get3A_60 = vector.load %arg10[%get3A_58, %get3A_59] : memref<256x128xf32, #tpu.memory_space<vmem>>, vector<256x128xf32>
    %dot_general3A_61 = arith.constant dense<0.000000e+00> : vector<6400x128xf32>
    %dot_general3A_62 = tpu.matmul %mul3A_57, %get3A_60, %dot_general3A_61 {dimension_numbers = #tpu.dot_dimension_numbers<[1], [0], [0], [1], [0, 0, 1, 1], [], []>, transpose_lhs_hint = false} : vector<6400x256xf32>, vector<256x128xf32>, vector<6400x128xf32> -> vector<6400x128xf32>
    %get3A_63 = arith.constant 0 : index
    %get3A_64 = arith.constant 0 : index
    %get3A_65 = vector.load %arg11[%get3A_63, %get3A_64] : memref<1x128xf32, #tpu.memory_space<vmem>>, vector<1x128xf32>
    %add3A_66 = vector.broadcast %get3A_65 : vector<1x128xf32> to vector<6400x128xf32>
    %add3A_67 = arith.addf %dot_general3A_62, %add3A_66 : vector<6400x128xf32>
    %get3A_68 = arith.constant 0 : index
    %get3A_69 = arith.constant 0 : index
    %get3A_70 = arith.constant 0 : index
    %get3A_71 = vector.load %arg3[%get3A_68, %get3A_69, %get3A_70] : memref<1x32x1xi32, #tpu.memory_space<vmem>>, vector<1x32x1xi32>
    %get3A_72 = vector.shape_cast %get3A_71 : vector<1x32x1xi32> to vector<32x1xi32>
    %max3A = arith.constant 1 : i32
    %max3A_73 = vector.broadcast %max3A : i32 to vector<32x1xi32>
    %max3A_74 = arith.maxsi %get3A_72, %max3A_73 : vector<32x1xi32>
    %iota3A = tpu.iota {dimensions = array<i32: 1>} : vector<32x200x128xi32>
    %broadcast_in_dim3A_75 = vector.shape_cast %max3A_74 : vector<32x1xi32> to vector<32x1x1xi32>
    %lt3A = vector.broadcast %broadcast_in_dim3A_75 : vector<32x1x1xi32> to vector<32x200x128xi32>
    %lt3A_76 = arith.cmpi slt, %iota3A, %lt3A : vector<32x200x128xi32>
    %reshape3A = vector.shape_cast %add3A_67 : vector<6400x128xf32> to vector<32x200x128xf32>
    %jit3A = arith.constant 0.000000e+00 : f32
    %broadcast_in_dim3A_77 = vector.broadcast %jit3A : f32 to vector<32x200x128xf32>
    %select_n3A = arith.select %lt3A_76, %reshape3A, %broadcast_in_dim3A_77 : vector<32x200x128xi1>, vector<32x200x128xf32>
    %reduce_sum3A_78 = arith.constant dense<0.000000e+00> : vector<32x128xf32>
    %reduce_sum3A_79 = vector.multi_reduction <add>, %select_n3A, %reduce_sum3A_78 [1] : vector<32x200x128xf32> to vector<32x128xf32>
    %convert_element_type3A = arith.sitofp %max3A_74 : vector<32x1xi32> to vector<32x1xf32>
    %div3A_80 = vector.broadcast %convert_element_type3A : vector<32x1xf32> to vector<32x128xf32>
    %div3A_81 = arith.divf %reduce_sum3A_79, %div3A_80 : vector<32x128xf32>
    %get3A_82 = arith.constant 0 : index
    %get3A_83 = arith.constant 0 : index
    %get3A_84 = vector.load %arg4[%get3A_82, %get3A_83] : memref<32x768xf32, #tpu.memory_space<vmem>>, vector<32x768xf32>
    %get3A_85 = arith.constant 0 : index
    %get3A_86 = arith.constant 0 : index
    %get3A_87 = vector.load %arg12[%get3A_85, %get3A_86] : memref<768x256xf32, #tpu.memory_space<vmem>>, vector<768x256xf32>
    %dot_general3A_88 = arith.constant dense<0.000000e+00> : vector<32x256xf32>
    %dot_general3A_89 = tpu.matmul %get3A_84, %get3A_87, %dot_general3A_88 {dimension_numbers = #tpu.dot_dimension_numbers<[1], [0], [0], [1], [0, 0, 1, 1], [], []>, transpose_lhs_hint = false} : vector<32x768xf32>, vector<768x256xf32>, vector<32x256xf32> -> vector<32x256xf32>
    %get3A_90 = arith.constant 0 : index
    %get3A_91 = arith.constant 0 : index
    %get3A_92 = vector.load %arg13[%get3A_90, %get3A_91] : memref<128x256xf32, #tpu.memory_space<vmem>>, vector<128x256xf32>
    %dot_general3A_93 = arith.constant dense<0.000000e+00> : vector<32x256xf32>
    %dot_general3A_94 = tpu.matmul %div3A_81, %get3A_92, %dot_general3A_93 {dimension_numbers = #tpu.dot_dimension_numbers<[1], [0], [0], [1], [0, 0, 1, 1], [], []>, transpose_lhs_hint = false} : vector<32x128xf32>, vector<128x256xf32>, vector<32x256xf32> -> vector<32x256xf32>
    %add3A_95 = arith.addf %dot_general3A_89, %dot_general3A_94 : vector<32x256xf32>
    %get3A_96 = arith.constant 0 : index
    %get3A_97 = arith.constant 0 : index
    %get3A_98 = vector.load %arg14[%get3A_96, %get3A_97] : memref<1x256xf32, #tpu.memory_space<vmem>>, vector<1x256xf32>
    %add3A_99 = vector.broadcast %get3A_98 : vector<1x256xf32> to vector<32x256xf32>
    %add3A_100 = arith.addf %add3A_95, %add3A_99 : vector<32x256xf32>
    %reduce_sum3A_101 = arith.constant dense<0.000000e+00> : vector<32xf32>
    %reduce_sum3A_102 = vector.multi_reduction <add>, %add3A_100, %reduce_sum3A_101 [1] : vector<32x256xf32> to vector<32xf32>
    %broadcast_in_dim3A_103 = vector.shape_cast %reduce_sum3A_102 : vector<32xf32> to vector<32x1xf32>
    %div3A_104 = arith.constant 2.560000e+02 : f32
    %div3A_105 = vector.broadcast %div3A_104 : f32 to vector<32x1xf32>
    %div3A_106 = arith.divf %broadcast_in_dim3A_103, %div3A_105 : vector<32x1xf32>
    %sub3A_107 = vector.broadcast %div3A_106 : vector<32x1xf32> to vector<32x256xf32>
    %sub3A_108 = arith.subf %add3A_100, %sub3A_107 : vector<32x256xf32>
    %sub3A_109 = vector.broadcast %div3A_106 : vector<32x1xf32> to vector<32x256xf32>
    %sub3A_110 = arith.subf %add3A_100, %sub3A_109 : vector<32x256xf32>
    %mul3A_111 = arith.mulf %sub3A_108, %sub3A_110 : vector<32x256xf32>
    %reduce_sum3A_112 = arith.constant dense<0.000000e+00> : vector<32xf32>
    %reduce_sum3A_113 = vector.multi_reduction <add>, %mul3A_111, %reduce_sum3A_112 [1] : vector<32x256xf32> to vector<32xf32>
    %broadcast_in_dim3A_114 = vector.shape_cast %reduce_sum3A_113 : vector<32xf32> to vector<32x1xf32>
    %div3A_115 = arith.constant 2.560000e+02 : f32
    %div3A_116 = vector.broadcast %div3A_115 : f32 to vector<32x1xf32>
    %div3A_117 = arith.divf %broadcast_in_dim3A_114, %div3A_116 : vector<32x1xf32>
    %sub3A_118 = vector.broadcast %div3A_106 : vector<32x1xf32> to vector<32x256xf32>
    %sub3A_119 = arith.subf %add3A_100, %sub3A_118 : vector<32x256xf32>
    %add3A_120 = arith.constant 9.99999974E-6 : f32
    %add3A_121 = vector.broadcast %add3A_120 : f32 to vector<32x1xf32>
    %add3A_122 = arith.addf %div3A_117, %add3A_121 : vector<32x1xf32>
    %sqrt3A_123 = math.sqrt %add3A_122 : vector<32x1xf32>
    %div3A_124 = vector.broadcast %sqrt3A_123 : vector<32x1xf32> to vector<32x256xf32>
    %div3A_125 = arith.divf %sub3A_119, %div3A_124 : vector<32x256xf32>
    %get3A_126 = arith.constant 0 : index
    %get3A_127 = arith.constant 0 : index
    %get3A_128 = vector.load %arg15[%get3A_126, %get3A_127] : memref<1x256xf32, #tpu.memory_space<vmem>>, vector<1x256xf32>
    %mul3A_129 = vector.broadcast %get3A_128 : vector<1x256xf32> to vector<32x256xf32>
    %mul3A_130 = arith.mulf %div3A_125, %mul3A_129 : vector<32x256xf32>
    %get3A_131 = arith.constant 0 : index
    %get3A_132 = arith.constant 0 : index
    %get3A_133 = vector.load %arg16[%get3A_131, %get3A_132] : memref<1x256xf32, #tpu.memory_space<vmem>>, vector<1x256xf32>
    %add3A_134 = vector.broadcast %get3A_133 : vector<1x256xf32> to vector<32x256xf32>
    %add3A_135 = arith.addf %mul3A_130, %add3A_134 : vector<32x256xf32>
    %mul3A_136 = arith.constant 5.000000e-01 : f32
    %mul3A_137 = vector.broadcast %mul3A_136 : f32 to vector<32x256xf32>
    %mul3A_138 = arith.mulf %mul3A_137, %add3A_135 : vector<32x256xf32>
    %mul3A_139 = arith.constant 0.707106769 : f32
    %mul3A_140 = vector.broadcast %mul3A_139 : f32 to vector<32x256xf32>
    %mul3A_141 = arith.mulf %add3A_135, %mul3A_140 : vector<32x256xf32>
    %erf3A_142 = math.erf %mul3A_141 : vector<32x256xf32>
    %add3A_143 = arith.constant 1.000000e+00 : f32
    %add3A_144 = vector.broadcast %add3A_143 : f32 to vector<32x256xf32>
    %add3A_145 = arith.addf %add3A_144, %erf3A_142 : vector<32x256xf32>
    %mul3A_146 = arith.mulf %mul3A_138, %add3A_145 : vector<32x256xf32>
    %get3A_147 = arith.constant 0 : index
    %get3A_148 = arith.constant 0 : index
    %get3A_149 = vector.load %arg17[%get3A_147, %get3A_148] : memref<256x128xf32, #tpu.memory_space<vmem>>, vector<256x128xf32>
    %dot_general3A_150 = arith.constant dense<0.000000e+00> : vector<32x128xf32>
    %dot_general3A_151 = tpu.matmul %mul3A_146, %get3A_149, %dot_general3A_150 {dimension_numbers = #tpu.dot_dimension_numbers<[1], [0], [0], [1], [0, 0, 1, 1], [], []>, transpose_lhs_hint = false} : vector<32x256xf32>, vector<256x128xf32>, vector<32x128xf32> -> vector<32x128xf32>
    %get3A_152 = arith.constant 0 : index
    %get3A_153 = arith.constant 0 : index
    %get3A_154 = vector.load %arg18[%get3A_152, %get3A_153] : memref<1x128xf32, #tpu.memory_space<vmem>>, vector<1x128xf32>
    %add3A_155 = vector.broadcast %get3A_154 : vector<1x128xf32> to vector<32x128xf32>
    %add3A_156 = arith.addf %dot_general3A_151, %add3A_155 : vector<32x128xf32>
    %swap3A = arith.constant 0 : index
    %swap3A_157 = arith.constant 0 : index
    %swap3A_158 = vector.load %arg19[%swap3A, %swap3A_157] : memref<32x128xf32, #tpu.memory_space<vmem>>, vector<32x128xf32>
    tpu.vector_store %arg19[%swap3A, %swap3A_157], %add3A_156 {strides = array<i32>} : memref<32x128xf32, #tpu.memory_space<vmem>>, vector<32x128xf32>,
    return
  }
  func.func @transform_0(%arg0: i32) -> (i32, i32) {
    %c0_i32 = arith.constant 0 : i32
    %c0_i32_0 = arith.constant 0 : i32
    return %arg0, %c0_i32 : i32, i32
  }
  func.func @transform_1(%arg0: i32) -> (i32, i32) {
    %c0_i32 = arith.constant 0 : i32
    %c0_i32_0 = arith.constant 0 : i32
    return %arg0, %c0_i32 : i32, i32
  }
  func.func @transform_2(%arg0: i32) -> (i32, i32, i32) {
    %c0_i32 = arith.constant 0 : i32
    %c0_i32_0 = arith.constant 0 : i32
    %c0_i32_1 = arith.constant 0 : i32
    return %arg0, %c0_i32, %c0_i32_0 : i32, i32, i32
  }
  func.func @transform_3(%arg0: i32) -> (i32, i32) {
    %c0_i32 = arith.constant 0 : i32
    %c0_i32_0 = arith.constant 0 : i32
    return %arg0, %c0_i32 : i32, i32
  }
  func.func @transform_4(%arg0: i32) -> (i32, i32) {
    %c0_i32 = arith.constant 0 : i32
    %c0_i32_0 = arith.constant 0 : i32
    %c0_i32_1 = arith.constant 0 : i32
    return %c0_i32, %c0_i32_0 : i32, i32
  }
  func.func @transform_5(%arg0: i32) -> (i32, i32) {
    %c0_i32 = arith.constant 0 : i32
    %c0_i32_0 = arith.constant 0 : i32
    %c0_i32_1 = arith.constant 0 : i32
    return %c0_i32, %c0_i32_0 : i32, i32
  }
  func.func @transform_6(%arg0: i32) -> (i32, i32) {
    %c0_i32 = arith.constant 0 : i32
    %c0_i32_0 = arith.constant 0 : i32
    %c0_i32_1 = arith.constant 0 : i32
    return %c0_i32, %c0_i32_0 : i32, i32
  }
  func.func @transform_7(%arg0: i32) -> (i32, i32) {
    %c0_i32 = arith.constant 0 : i32
    %c0_i32_0 = arith.constant 0 : i32
    %c0_i32_1 = arith.constant 0 : i32
    return %c0_i32, %c0_i32_0 : i32, i32
  }
  func.func @transform_8(%arg0: i32) -> (i32, i32) {
    %c0_i32 = arith.constant 0 : i32
    %c0_i32_0 = arith.constant 0 : i32
    %c0_i32_1 = arith.constant 0 : i32
    return %c0_i32, %c0_i32_0 : i32, i32
  }
  func.func @transform_9(%arg0: i32) -> (i32, i32) {
    %c0_i32 = arith.constant 0 : i32
    %c0_i32_0 = arith.constant 0 : i32
    %c0_i32_1 = arith.constant 0 : i32
    return %c0_i32, %c0_i32_0 : i32, i32
  }
  func.func @transform_10(%arg0: i32) -> (i32, i32) {
    %c0_i32 = arith.constant 0 : i32
    %c0_i32_0 = arith.constant 0 : i32
    %c0_i32_1 = arith.constant 0 : i32
    return %c0_i32, %c0_i32_0 : i32, i32
  }
  func.func @transform_11(%arg0: i32) -> (i32, i32) {
    %c0_i32 = arith.constant 0 : i32
    %c0_i32_0 = arith.constant 0 : i32
    %c0_i32_1 = arith.constant 0 : i32
    return %c0_i32, %c0_i32_0 : i32, i32
  }
  func.func @transform_12(%arg0: i32) -> (i32, i32) {
    %c0_i32 = arith.constant 0 : i32
    %c0_i32_0 = arith.constant 0 : i32
    %c0_i32_1 = arith.constant 0 : i32
    return %c0_i32, %c0_i32_0 : i32, i32
  }
  func.func @transform_13(%arg0: i32) -> (i32, i32) {
    %c0_i32 = arith.constant 0 : i32
    %c0_i32_0 = arith.constant 0 : i32
    %c0_i32_1 = arith.constant 0 : i32
    return %c0_i32, %c0_i32_0 : i32, i32
  }
  func.func @transform_14(%arg0: i32) -> (i32, i32) {
    %c0_i32 = arith.constant 0 : i32
    %c0_i32_0 = arith.constant 0 : i32
    %c0_i32_1 = arith.constant 0 : i32
    return %c0_i32, %c0_i32_0 : i32, i32
  }
  func.func @transform_15(%arg0: i32) -> (i32, i32) {
    %c0_i32 = arith.constant 0 : i32
    %c0_i32_0 = arith.constant 0 : i32
    %c0_i32_1 = arith.constant 0 : i32
    return %c0_i32, %c0_i32_0 : i32, i32
  }
  func.func @transform_16(%arg0: i32) -> (i32, i32) {
    %c0_i32 = arith.constant 0 : i32
    %c0_i32_0 = arith.constant 0 : i32
    %c0_i32_1 = arith.constant 0 : i32
    return %c0_i32, %c0_i32_0 : i32, i32
  }
  func.func @transform_17(%arg0: i32) -> (i32, i32) {
    %c0_i32 = arith.constant 0 : i32
    %c0_i32_0 = arith.constant 0 : i32
    %c0_i32_1 = arith.constant 0 : i32
    return %c0_i32, %c0_i32_0 : i32, i32
  }
  func.func @transform_18(%arg0: i32) -> (i32, i32) {
    %c0_i32 = arith.constant 0 : i32
    %c0_i32_0 = arith.constant 0 : i32
    return %arg0, %c0_i32 : i32, i32
  }
}

</mosaic_0001>

<sc_bundles>
// kernel: kernel.5.cloned.1.call-start
scs
__scs_entry_jumppad:
0x0: {  	(pc) =	sbr.rel $0x88, $3  }
0x1: {  	(tag) =	ssettag $0x0;
	lr =	simm.s32 $0x1  }
0x2: {  	[smem:$0x3F8F] =	sst lr;
	_ =	strace $0xD0000000  }
0x3: {  	_ = 	snop  }
0x4: {  	_ = 	snop  }
0x5: {  	_ = 	snop  }
0x6: {  	_ = 	snop  }
0x7: {  	_ = 	snop  }
__scs_overlays_trampoline_lowered:
0x8: {  	[smem:$0x3F9E] =	sst s0  }
0x9: {  	[smem:$0x3F9F] =	sst s1  }
0xa: {  	[smem:$0x3FA0] =	sst s2  }
0xb: {  	[smem:$0x3FA1] =	sst s3  }
0xc: {  	[smem:$0x3FA2] =	sst s4  }
0xd: {  	[smem:$0x3FA3] =	sst s5  }
0xe: {  	[smem:$0x3FA4] =	sst s6  }
0xf: {  	[smem:$0x3FA5] =	sst s7  }
0x10: {  	[smem:$0x3FA6] =	sst s8  }
0x11: {  	[smem:$0x3FA7] =	sst s9;
	s0 =	simm.s32 @!p0 $0x0  }
0x12: {  	s1 =	sld [smem:$0x3F8D];
	s0 =	simm.s32 @p0 $0x1  }
0x13: {  	[smem:$0x3FA8] =	sst s0;
	s0 =	simm.s32 @!p1 $0x0  }
0x14: {  	s2 =	sld [smem:$0x3F8C];
	s0 =	simm.s32 @p1 $0x1  }
0x15: {  	[smem:$0x3FA9] =	sst s0;
	s0 =	simm.s32 @!p2 $0x0  }
0x16: {  	s3 =	sld [smem:$0x3FDB];
	s0 =	simm.s32 @p2 $0x1  }
0x17: {  	s4 =	simm.s32 $0x1BF5;
	[smem:$0x3FAB] =	sst s0  }
0x18: {  	s0 =	sld [smem:$0x3F8E];
	_ =	swait.ge [sflag:s4], $0x0  }
0x19: {  	s7 =	sld [smem:$0x3F8F]  }
0x1a: {  	s8 =	sadd.s32 $0xFFFFE003, lr  }
0x1b: {  	s9 =	sadd.s32 $0xFFFFFEF7, lr;
	s5 =	simm.s32 $0xFFFFFFFF;
	p2 =	slt.u32 s8, $0xFFFFF086  }
0x1c: {  	p1 =	slt.u32 s9, $0xF7A;
	s5 =	simm.s32 @!p2 $0x0  }
0x1d: {  	s5 =	simm.s32 @p1 $0x1;
	p0 =	seq.s32 s7, s2  }
0x1e: {  	s7 =	smul.u32 @!p0 $0xF7A, s2;
	p2 =	seq.s32 @!p0 s5, $0x0  }
0x1f: {  	s9 =	smul.u32 $0xF7A, s1;
	s8 =	simm.s32 @!p0 $0x1BF5;
	p2 =	por !p2, p0  }
0x20: {  	[sflag:s8] =	ssyncset.s32 @!p0 $0xFFFFF086;
	s6 =	sadd.s32 @!p0 s3, s7;
	s7 =	simm.s32 @!p0 $0x108  }
0x21: {  	s3 =	sadd.s32 s3, s9;
	s6 =	sadd.s32 @!p0 $0x88, s6;
	s7 =	simm.s32 @p2 $0x1082  }
0x22: {  	[simem:s7], [sflag:s8] =	dma.local @!p0 [hbm:s6], $0xF7A  }
0x23: {  	s9 =	sor.u32 $0xD0000000, s2;
	s6 =	simm.s32 $0x108;
	_ =	swait.ge @!p0 [sflag:s8], $0x0  }
0x24: {  	s3 =	sadd.s32 $0x88, s3;
	s6 =	simm.s32 @!p1 $0x1082;
	[sflag:s4] =	ssyncset.s32 $0xFFFFF086  }
0x25: {  	[simem:s6], [sflag:s4] =	dma.local [hbm:s3], $0xF7A  }
0x26: {  	[smem:$0x3F8F] =	sst s1;
	(tag) =	ssettag s2;
	_ =	strace s9  }
0x27: {  	s1 =	sld [smem:$0x3F9F]  }
0x28: {  	s2 =	sld [smem:$0x3FA0]  }
0x29: {  	s4 =	sld [smem:$0x3FA2]  }
0x2a: {  	p0 =	seq.s32 s5, $0x0;
	s5 =	sld [smem:$0x3FA3]  }
0x2b: {  	s6 =	sld [smem:$0x3FA4]  }
0x2c: {  	s7 =	sld [smem:$0x3FA5]  }
0x2d: {  	s3 =	simm.s32 $0x108;
	s8 =	sld [smem:$0x3FA6]  }
0x2e: {  	s3 =	simm.s32 @!p0 $0x1082;
	s9 =	sld [smem:$0x3FA7]  }
0x2f: {  	lr =	sadd.s32 s0, s3;
	s0 =	sld [smem:$0x3F9E]  }
0x30: {  	s3 =	sld [smem:$0x3FA1]  }
0x31: {  	[smem:$0x3FAA] =	sst s10  }
0x32: {  	s10 =	sld [smem:$0x3FA8];
	_ =	sdelay $0x3  }
0x33: {  	p0 =	seq.s32 s10, $0x1;
	s10 =	sld [smem:$0x3FAA];
	_ =	sdelay $0x3  }
0x34: {  	[smem:$0x3FAA] =	sst s10  }
0x35: {  	s10 =	sld [smem:$0x3FA9];
	_ =	sdelay $0x3  }
0x36: {  	p1 =	seq.s32 s10, $0x1;
	s10 =	sld [smem:$0x3FAA];
	_ =	sdelay $0x3  }
0x37: {  	[smem:$0x3FAA] =	sst s10  }
0x38: {  	s10 =	sld [smem:$0x3FAB]  }
0x39: {  	_ = 	snop;
	(pc) =	sbr.ind lr, $3  }
0x3a: {  	_ = 	snop  }
0x3b: {  	_ = 	snop  }
0x3c: {  	p2 =	seq.s32 s10, $0x1;
	s10 =	sld [smem:$0x3FAA]  }
0x3d: {  	_ =	shalt  }
0x3e: {  	_ =	shalt  }
0x3f: {  	_ =	shalt  }
0x40: {  	_ =	shalt  }
0x41: {  	_ =	shalt  }
0x42: {  	_ =	shalt  }
0x43: {  	_ =	shalt  }
0x44: {  	_ =	shalt  }
0x45: {  	_ =	shalt  }
0x46: {  	_ =	shalt  }
0x47: {  	_ =	shalt  }
0x48: {  	_ =	shalt  }
0x49: {  	_ =	shalt  }
0x4a: {  	_ =	shalt  }
0x4b: {  	_ =	shalt  }
0x4c: {  	_ =	shalt  }
0x4d: {  	_ =	shalt  }
0x4e: {  	_ =	shalt  }
0x4f: {  	_ =	shalt  }
0x50: {  	_ =	shalt  }
0x51: {  	_ =	shalt  }
0x52: {  	_ =	shalt  }
0x53: {  	_ =	shalt  }
0x54: {  	_ =	shalt  }
0x55: {  	_ =	shalt  }
0x56: {  	_ =	shalt  }
0x57: {  	_ =	shalt  }
0x58: {  	_ =	shalt  }
0x59: {  	_ =	shalt  }
0x5a: {  	_ =	shalt  }
0x5b: {  	_ =	shalt  }
0x5c: {  	_ =	shalt  }
0x5d: {  	_ =	shalt  }
0x5e: {  	_ =	shalt  }
0x5f: {  	_ =	shalt  }
0x60: {  	_ =	shalt  }
0x61: {  	_ =	shalt  }
0x62: {  	_ =	shalt  }
0x63: {  	_ =	shalt  }
0x64: {  	_ =	shalt  }
0x65: {  	_ =	shalt  }
0x66: {  	_ =	shalt  }
0x67: {  	_ =	shalt  }
0x68: {  	_ =	shalt  }
0x69: {  	_ =	shalt  }
0x6a: {  	_ =	shalt  }
0x6b: {  	_ =	shalt  }
0x6c: {  	_ =	shalt  }
0x6d: {  	_ =	shalt  }
0x6e: {  	_ =	shalt  }
0x6f: {  	_ =	shalt  }
0x70: {  	_ =	shalt  }
0x71: {  	_ =	shalt  }
0x72: {  	_ =	shalt  }
0x73: {  	_ =	shalt  }
0x74: {  	_ =	shalt  }
0x75: {  	_ =	shalt  }
0x76: {  	_ =	shalt  }
0x77: {  	_ =	shalt  }
0x78: {  	_ =	shalt  }
0x79: {  	_ =	shalt  }
0x7a: {  	_ =	shalt  }
0x7b: {  	_ =	shalt  }
0x7c: {  	_ =	shalt  }
0x7d: {  	_ =	shalt  }
0x7e: {  	_ =	shalt  }
0x7f: {  	_ =	shalt  }
0x80: {  	_ =	shalt  }
0x81: {  	_ =	shalt  }
0x82: {  	_ =	shalt  }
0x83: {  	_ =	shalt  }
0x84: {  	_ =	shalt  }
0x85: {  	_ =	shalt  }
0x86: {  	_ =	shalt  }
0x87: {  	_ =	shalt  }
.Lfunc_end0:
.L_simem_size_0:
called_computation_lowered:
.L_overlay_start_0:
0x88: {  	s2 =	sld [smem:$0x3FD9]  }
0x89: {  	s3 =	sld [smem:$0x3FFE];
	_ =	sdelay $0x1  }
0x8a: {  	s1 =	srdreg.scid  }
0x8b: {  	s0 =	sand.u32 $0x1, s1  }
0x8c: {  	s17 =	sshll.u32 s0, $0xA;
	s2 =	sadd.s32 s3, s2  }
0x8d: {  	s2 =	sadd.s32 s2, s17  }
0x8e: {  	[smem:$0x3FB6] =	sst s2  }
0x8f: {  	_ = 	snop  }
0x90: {  	s2 =	sld [smem:$0x3FD0];
	(tm) =	ssettm $0x1  }
0x91: {  	s18 =	sld [smem:$0x3FFB];
	_ =	sdelay $0x3  }
0x92: {  	_ =	strace s18  }
0x93: {  	s3 =	sld [smem:$0x3FFC];
	_ =	sdelay $0x3  }
0x94: {  	_ =	strace s3  }
0x95: {  	s3 =	sld [smem:$0x3FFD];
	_ =	sdelay $0x3  }
0x96: {  	_ =	strace s3  }
0x97: {  	_ =	strace $0x8FFFFFFF  }
0x98: {  	s19 =	sld [smem:$0x3FDB];
	_ =	sdelay $0x1  }
0x99: {  	s4 =	simm.s32 $_scs_section_size  }
0x9a: {  	s5 =	simm.s32 $_size__tile_overlayer_lowered;
	s6 =	simm.s32 $_tile_overlayer_lowered  }
0x9b: {  	s22 =	simm.s32 $0x1BFF;
	s21 =	sshll.u32 s6, $0x1;
	s3 =	sadd.s32 s4, s19  }
0x9c: {  	s7 =	simm.s32 $0x0;
	s20 =	sshll.u32 s5, $0x1;
	s5 =	sadd.s32 s21, s3  }
0x9d: {  	[timem:s7], [sflag:s22] =	dma.local [hbm:s5], s20  }
0x9e: {  	_ =	swait.ge [sflag:s22], s20  }
0x9f: {  	s4 =	ssub.s32 $0x0, s20;
	[sflag:s22] =	ssyncset.done $0x0  }
0xa0: {  	[sflag:s22] =	ssyncadd.s32 s4;
	_ =	sdelay $0x1  }
0xa1: {  	s23 =	simm.s32 $0x1B8B  }
0xa2: {  	_ =	swait.ge [sflag:s23], $0x1  }
0xa3: {  	[sflag:s23] =	ssyncset.done $0x0  }
0xa4: {  	s25 =	simm.s32 $0x1B8E;
	s24 =	sld [smem:$0x3FFE];
	[sflag:s23] =	ssyncadd.s32 $0xFFFFFFFF  }
0xa5: {  	s26 =	simm.s32 $execute0_lowered;
	[smem:$0x3FD2] =	sst s25  }
0xa6: {  	s5 =	sshll.u32 s26, $0x1;
	_ =	strace $0x80000046;
	[dreg:$0x1] =	wrdreg $0xFFFFFFFF  }
0xa7: {  	s28 =	simm.s32 $_size_execute0_lowered;
	s3 =	sadd.s32 s3, s5;
	[dreg:$0x0] =	wrdreg $0x0  }
0xa8: {  	s5 =	sshll.u32 s28, $0x1;
	[dreg:$0x2] =	wrdreg s3  }
0xa9: {  	[dreg:$0x3] =	wrdreg s5  }
0xaa: {  	[dreg:$0x4] =	wrdreg $0xC0  }
0xab: {  	_ =	task [dreg:s7], $0x5FFFF  }
0xac: {  	[dreg:$0x1] =	wrdreg $0xFFFFFFFF  }
0xad: {  	[dreg:$0x0] =	wrdreg $0x60  }
0xae: {  	[dreg:$0x2] =	wrdreg s24  }
0xaf: {  	[dreg:$0x3] =	wrdreg s2  }
0xb0: {  	[dreg:$0x4] =	wrdreg $0x9  }
0xb1: {  	_ =	task.clear_ibuf [dreg:s7], $0x5FFFF;
	_ =	strace $0x90000046  }
0xb2: {  	s29 =	simm.s32 $0x9;
	_ =	strace $0x80000048  }
0xb3: {  	_ =	swait.ge [sflag:s29], $0x1  }
0xb4: {  	[sflag:s29] =	ssyncadd.s32 $0xFFFFFFFF  }
0xb5: {  	_ =	strace $0x90000048  }
0xb6: {  	_ =	sfence  }
0xb7: {  	s30 =	sld [smem:$0x0];
	_ =	sdelay $0x2  }
0xb8: {  	s31 =	sshll.u32 s1, $0xD;
	s1 =	sshrl.u32 s1, $0x2  }
0xb9: {  	s3 =	sand.u32 $0x4000, s31;
	s1 =	sadd.s32 s1, s30  }
0xba: {  	s0 =	sor.u32 s3, s0;
	s1 =	sshll.u32 s1, $0x11  }
0xbb: {  	s0 =	sor.u32 s1, s0  }
0xbc: {  	s0 =	sadd.s32 $0x8F2B, s0  }
0xbd: {  	[sflag:s0] =	ssyncadd.remote.s32 $0x1  }
0xbe: {  	_ =	sfence.sel $0xFFFF  }
0xbf: {  	[dreg:$0x0] =	wrdreg $0xFFFFFFFF;
	(pc) =	sbr.abs _section_cstart, $3  }
0xc0: {  	[dreg:$0x1] =	wrdreg $0xFFFFFFFF  }
0xc1: {  	_ =	task.clear_ibuf [dreg:s7], $0x2FFFF;
	_ =	strace $0x9FFFFFFF  }
0xc2: {  	(tm) =	ssettm $0x7FFFFFFF  }
0xc3: {  	_ =	shalt  }
tec
execute0_lowered:
.L_overlay_start_1:
0x0: {  	(tag) =	ssettag $0x1  }
0x1: {  	s0 =	rddreg [dreg:$0x0]  }
0x2: {  	s2 =	rddreg [dreg:$0x1]  }
0x3: {  	s3 =	stileid.u32;
	s10 =	simm.s32 $0x0;
	s4 =	srdreg.scid  }
0x4: {  	s11 =	simm.s32 $0x3;
	s12 =	simm.s32 $0x64;
	s13 =	simm.s32 $0x340  }
0x5: {  	s15 =	simm.s32 $0x68;
	s16 =	simm.s32 $0x1C40;
	s17 =	simm.s32 $0xD0  }
0x6: {  	s18 =	simm.s32 $0x3540;
	s19 =	simm.s32 $0x138;
	s25 =	simm.s32 $0x4E40  }
0x7: {  	s28 =	simm.s32 $0x8040;
	s29 =	simm.s32 $0x270;
	s1 =	smul.u32 $0x680, s3  }
0x8: {  	s30 =	simm.s32 $0x9940;
	s5 =	smul.u32 $0x32000, s3;
	s6 =	sand.u32 $0x1, s4  }
0x9: {  	[smem:$0x7FF] =	sst s10;
	s7 =	ssub.s32 $0x2, s6;
	s8 =	smul.u32 $0x19000, s6  }
0xa: {  	s4 =	sadd.s32 $0xF45000, s0;
	s6 =	smul.u32 $0x340, s6;
	s9 =	sshrl.u32 s7, $0x1  }
0xb: {  	s1 =	sadd.s32 s1, s0;
	s0 =	sadd.s32 s5, s0;
	s20 =	ssub.s32 s7, s9  }
0xc: {  	_ =	strace $0x80000047;
	s0 =	sadd.s32 s8, s0;
	s21 =	smax.u32 s20, $0x1  }
0xd: {  	s1 =	sadd.s32 s6, s1;
	s22 =	sadd.s32 $0x16400, s0;
	[dreg:$0x3] =	wrdreg s21  }
0xe: {  	s31 =	simm.s32 $0x2D8;
	s23 =	sadd.s32 $0x2C34, s1;
	[dreg:$0x8] =	wrdreg s22  }
0xf: {  	s3 =	simm.s32 $0x0;
	s26 =	sadd.s32 $0xFC34, s1;
	[dreg:$0x4] =	wrdreg s23  }
0x10: {  	s6 =	simm.s32 $0xB240;
	s14 =	sadd.s32 $0x9434, s1;
	[dreg:$0x7] =	wrdreg s26  }
0x11: {  	s24 =	sadd.s32 $0x336400, s0;
	s20 =	simm.s32 $0x1A0;
	[dreg:$0x5] =	wrdreg s14  }
0x12: {  	s0 =	simm.s32 $0x2;
	s21 =	simm.s32 $0x1;
	[dreg:$0x6] =	wrdreg s24  }
.LBB2_1:
0x13: {  	s9 =	rddreg [dreg:$0x4]  }
0x14: {  	[dreg:$0x9] =	wrdreg s3;
	s1 =	sadd.s32 $0xFFFFFFCC, s9  }
0x15: {  	[tilespmem:s10], [sflag:$0x3] =	stream.linear.gather [hbm4b:s1+s10], $0x1A0, $0x38;
	[tilespmem:$0xCB40] =	vst v63  }
0x16: {  	_ =	swait.ge [sflag:s11], $0x1A0  }
0x17: {  	[sflag:s11] =	ssyncset.done $0x0  }
0x18: {  	[sflag:s11] =	ssyncadd.s32 $0xFFFFFE60  }
0x19: {  	[tilespmem:s13], [sflag:$0x1] =	stream.indirect.gather [hbm4b:s4+s12], $0x40, s10, s12, $0xb8;
	[tilespmem:$0xCB40] =	vst v63  }
0x1a: {  	_ = 	snop  }
0x1b: {  	[tilespmem:s16], [sflag:$0x1] =	stream.indirect.gather [hbm4b:s4+s12], $0x40, s15, s12, $0xb8;
	[tilespmem:$0xCB40] =	vst v63  }
0x1c: {  	_ = 	snop  }
0x1d: {  	[tilespmem:s18], [sflag:$0x1] =	stream.indirect.gather [hbm4b:s4+s12], $0x40, s17, s12, $0xb8;
	[tilespmem:$0xCB40] =	vst v63  }
0x1e: {  	_ = 	snop  }
0x1f: {  	[tilespmem:s25], [sflag:$0x1] =	stream.indirect.gather [hbm4b:s4+s12], $0x40, s19, s12, $0xb8;
	[tilespmem:$0xCB40] =	vst v63  }
0x20: {  	_ = 	snop  }
0x21: {  	[tilespmem:s20], [sflag:$0x3] =	stream.linear.gather [hbm4b:s9+s10], $0x1A0, $0x38;
	[tilespmem:$0xCB40] =	vst v63  }
0x22: {  	_ =	swait.ge [sflag:s11], $0x1A0  }
0x23: {  	[sflag:s11] =	ssyncset.done $0x0  }
0x24: {  	[sflag:s11] =	ssyncadd.s32 $0xFFFFFE60  }
0x25: {  	_ =	swait.ge [sflag:s21], $0x1900  }
0x26: {  	[sflag:s21] =	ssyncset.done $0x0  }
0x27: {  	[sflag:s21] =	ssyncadd.s32 $0xFFFFE700  }
0x28: {  	_ =	swait.ge [sflag:s21], $0x1900  }
0x29: {  	[sflag:s21] =	ssyncset.done $0x0  }
0x2a: {  	[sflag:s21] =	ssyncadd.s32 $0xFFFFE700  }
0x2b: {  	_ =	swait.ge [sflag:s21], $0x1900  }
0x2c: {  	[sflag:s21] =	ssyncset.done $0x0  }
0x2d: {  	[sflag:s21] =	ssyncadd.s32 $0xFFFFE700  }
0x2e: {  	s24 =	simm.s32 $0x80;
	_ =	swait.ge [sflag:s21], $0x1900  }
0x2f: {  	s23 =	simm.s32 $0x40;
	[sflag:s21] =	ssyncset.done $0x0;
	s13 =	rddreg [dreg:$0x8]  }
0x30: {  	s20 =	simm.s32 $0x340;
	[sflag:s21] =	ssyncadd.s32 $0xFFFFE700;
	s14 =	sadd.s32 $0x0, s13  }
0x31: {  	[hbm4b:s14+s23] =	stream.strided.scatter [tilespmem:s20], [sflag:$0x2], $0x6400, s24, s23, $0x38;
	[tilespmem:$0xCB40] =	vst v63  }
0x32: {  	s26 =	simm.s32 $0x6740;
	s22 =	simm.s32 $0x1A0  }
0x33: {  	[tilespmem:s26], [sflag:$0x1] =	stream.indirect.gather [hbm4b:s4+s12], $0x40, s22, s12, $0xb8;
	[tilespmem:$0xCB40] =	vst v63  }
0x34: {  	s5 =	simm.s32 $0x208  }
0x35: {  	[tilespmem:s28], [sflag:$0x1] =	stream.indirect.gather [hbm4b:s4+s12], $0x40, s5, s12, $0xb8;
	[tilespmem:$0xCB40] =	vst v63  }
0x36: {  	_ = 	snop  }
0x37: {  	[tilespmem:s30], [sflag:$0x1] =	stream.indirect.gather [hbm4b:s4+s12], $0x40, s29, s12, $0xb8;
	[tilespmem:$0xCB40] =	vst v63  }
0x38: {  	_ = 	snop  }
0x39: {  	[tilespmem:s6], [sflag:$0x1] =	stream.indirect.gather [hbm4b:s4+s12], $0x40, s31, s12, $0xb8;
	[tilespmem:$0xCB40] =	vst v63  }
0x3a: {  	_ =	swait.ge [sflag:s21], $0x1900  }
0x3b: {  	[sflag:s21] =	ssyncset.done $0x0  }
0x3c: {  	[sflag:s21] =	ssyncadd.s32 $0xFFFFE700  }
0x3d: {  	_ =	swait.ge [sflag:s21], $0x1900  }
0x3e: {  	[sflag:s21] =	ssyncset.done $0x0  }
0x3f: {  	[sflag:s21] =	ssyncadd.s32 $0xFFFFE700  }
0x40: {  	_ =	swait.ge [sflag:s21], $0x1900  }
0x41: {  	[sflag:s21] =	ssyncset.done $0x0  }
0x42: {  	[sflag:s21] =	ssyncadd.s32 $0xFFFFE700  }
0x43: {  	_ =	swait.ge [sflag:s21], $0x1900  }
0x44: {  	[sflag:s21] =	ssyncset.done $0x0  }
0x45: {  	s1 =	sadd.s32 $0x1900, s14;
	[sflag:s21] =	ssyncadd.s32 $0xFFFFE700  }
0x46: {  	[hbm4b:s1+s23] =	stream.strided.scatter [tilespmem:s26], [sflag:$0x2], $0x6400, s24, s23, $0x38;
	[tilespmem:$0xCB40] =	vst v63  }
0x47: {  	_ =	swait.ge [sflag:s0], $0x6400  }
0x48: {  	[sflag:s0] =	ssyncset.done $0x0  }
0x49: {  	s8 =	sadd.s32 $0x68, s9;
	[sflag:s0] =	ssyncadd.s32 $0xFFFF9C00  }
0x4a: {  	s7 =	simm.s32 $0x3200;
	s9 =	sadd.s32 $0xFFFFFFCC, s8;
	_ =	swait.ge [sflag:s0], $0x6400  }
0x4b: {  	s10 =	simm.s32 $0x6400;
	s1 =	sadd.s32 $0x68, s8;
	[sflag:s0] =	ssyncset.done $0x0  }
.LBB2_2:
0x4c: {  	s3 =	sadd.s32 $0xFFFFFFCC, s1  }
0x4d: {  	s5 =	simm.s32 $0x0;
	[sflag:s0] =	ssyncadd.s32 $0xFFFF9C00;
	s14 =	smov.u32 s10  }
0x4e: {  	[tilespmem:s5], [sflag:$0x3] =	stream.linear.gather [hbm4b:s9+s5], $0x1A0, $0x38;
	[tilespmem:$0xCB40] =	vst v63  }
0x4f: {  	p0 =	sne.s32 s10, $0x15E00;
	s10 =	sadd.s32 $0x3200, s10;
	_ =	swait.ge [sflag:s11], $0x1A0  }
0x50: {  	s9 =	smov.u32 s3;
	[sflag:s11] =	ssyncset.done $0x0  }
0x51: {  	[sflag:s11] =	ssyncadd.s32 $0xFFFFFE60  }
0x52: {  	[tilespmem:s20], [sflag:$0x1] =	stream.indirect.gather [hbm4b:s4+s12], $0x40, s5, s12, $0xb8;
	[tilespmem:$0xCB40] =	vst v63  }
0x53: {  	_ = 	snop  }
0x54: {  	[tilespmem:s16], [sflag:$0x1] =	stream.indirect.gather [hbm4b:s4+s12], $0x40, s15, s12, $0xb8;
	[tilespmem:$0xCB40] =	vst v63  }
0x55: {  	_ = 	snop  }
0x56: {  	[tilespmem:s18], [sflag:$0x1] =	stream.indirect.gather [hbm4b:s4+s12], $0x40, s17, s12, $0xb8;
	[tilespmem:$0xCB40] =	vst v63  }
0x57: {  	_ = 	snop  }
0x58: {  	[tilespmem:s25], [sflag:$0x1] =	stream.indirect.gather [hbm4b:s4+s12], $0x40, s19, s12, $0xb8;
	[tilespmem:$0xCB40] =	vst v63  }
0x59: {  	_ = 	snop  }
0x5a: {  	[tilespmem:s22], [sflag:$0x3] =	stream.linear.gather [hbm4b:s8+s5], $0x1A0, $0x38;
	[tilespmem:$0xCB40] =	vst v63  }
0x5b: {  	s8 =	smov.u32 s1;
	_ =	swait.ge [sflag:s11], $0x1A0  }
0x5c: {  	[sflag:s11] =	ssyncset.done $0x0  }
0x5d: {  	[sflag:s11] =	ssyncadd.s32 $0xFFFFFE60  }
0x5e: {  	_ =	swait.ge [sflag:s21], $0x1900  }
0x5f: {  	[sflag:s21] =	ssyncset.done $0x0  }
0x60: {  	[sflag:s21] =	ssyncadd.s32 $0xFFFFE700  }
0x61: {  	_ =	swait.ge [sflag:s21], $0x1900  }
0x62: {  	[sflag:s21] =	ssyncset.done $0x0  }
0x63: {  	[sflag:s21] =	ssyncadd.s32 $0xFFFFE700  }
0x64: {  	_ =	swait.ge [sflag:s21], $0x1900  }
0x65: {  	[sflag:s21] =	ssyncset.done $0x0  }
0x66: {  	[sflag:s21] =	ssyncadd.s32 $0xFFFFE700  }
0x67: {  	_ =	swait.ge [sflag:s21], $0x1900  }
0x68: {  	[sflag:s21] =	ssyncset.done $0x0  }
0x69: {  	s3 =	sadd.s32 s7, s13;
	s7 =	smov.u32 s14;
	[sflag:s21] =	ssyncadd.s32 $0xFFFFE700  }
0x6a: {  	[hbm4b:s3+s23] =	stream.strided.scatter [tilespmem:s20], [sflag:$0x2], $0x6400, s24, s23, $0x38;
	[tilespmem:$0xCB40] =	vst v63  }
0x6b: {  	_ = 	snop  }
0x6c: {  	[tilespmem:s26], [sflag:$0x1] =	stream.indirect.gather [hbm4b:s4+s12], $0x40, s22, s12, $0xb8;
	[tilespmem:$0xCB40] =	vst v63  }
0x6d: {  	s14 =	simm.s32 $0x208  }
0x6e: {  	[tilespmem:s28], [sflag:$0x1] =	stream.indirect.gather [hbm4b:s4+s12], $0x40, s14, s12, $0xb8;
	[tilespmem:$0xCB40] =	vst v63  }
0x6f: {  	_ = 	snop  }
0x70: {  	[tilespmem:s30], [sflag:$0x1] =	stream.indirect.gather [hbm4b:s4+s12], $0x40, s29, s12, $0xb8;
	[tilespmem:$0xCB40] =	vst v63  }
0x71: {  	_ = 	snop  }
0x72: {  	[tilespmem:s6], [sflag:$0x1] =	stream.indirect.gather [hbm4b:s4+s12], $0x40, s31, s12, $0xb8;
	[tilespmem:$0xCB40] =	vst v63  }
0x73: {  	_ =	swait.ge [sflag:s21], $0x1900  }
0x74: {  	[sflag:s21] =	ssyncset.done $0x0  }
0x75: {  	[sflag:s21] =	ssyncadd.s32 $0xFFFFE700  }
0x76: {  	_ =	swait.ge [sflag:s21], $0x1900  }
0x77: {  	[sflag:s21] =	ssyncset.done $0x0  }
0x78: {  	[sflag:s21] =	ssyncadd.s32 $0xFFFFE700  }
0x79: {  	_ =	swait.ge [sflag:s21], $0x1900  }
0x7a: {  	[sflag:s21] =	ssyncset.done $0x0  }
0x7b: {  	[sflag:s21] =	ssyncadd.s32 $0xFFFFE700  }
0x7c: {  	_ =	swait.ge [sflag:s21], $0x1900  }
0x7d: {  	[sflag:s21] =	ssyncset.done $0x0  }
0x7e: {  	s3 =	sadd.s32 $0x1900, s3;
	[sflag:s21] =	ssyncadd.s32 $0xFFFFE700  }
0x7f: {  	[hbm4b:s3+s23] =	stream.strided.scatter [tilespmem:s26], [sflag:$0x2], $0x6400, s24, s23, $0x38;
	[tilespmem:$0xCB40] =	vst v63  }
.Ltmp0:
0x80: {  	_ =	swait.ge [sflag:s0], $0x6400;
	(pc) =	sbr.rel @p0 .LBB2_2-.Ltmp0, $4  }
0x81: {  	[sflag:s0] =	ssyncset.done $0x0  }
0x82: {  	[sflag:s0] =	ssyncadd.s32 $0xFFFF9C00  }
0x83: {  	_ =	swait.ge [sflag:s0], $0x6400  }
0x84: {  	s1 =	sadd.s32 $0x68, s1;
	[sflag:s0] =	ssyncset.done $0x0  }
0x85: {  	[sflag:s0] =	ssyncadd.s32 $0xFFFF9C00  }
0x86: {  	[tilespmem:s5], [sflag:$0x3] =	stream.linear.gather [hbm4b:s9+s5], $0x1A0, $0x38;
	[tilespmem:$0xCB40] =	vst v63  }
0x87: {  	_ =	swait.ge [sflag:s11], $0x1A0  }
0x88: {  	[sflag:s11] =	ssyncset.done $0x0  }
0x89: {  	[sflag:s11] =	ssyncadd.s32 $0xFFFFFE60  }
0x8a: {  	[tilespmem:s20], [sflag:$0x1] =	stream.indirect.gather [hbm4b:s4+s12], $0x40, s5, s12, $0xb8;
	[tilespmem:$0xCB40] =	vst v63  }
0x8b: {  	_ = 	snop  }
0x8c: {  	[tilespmem:s16], [sflag:$0x1] =	stream.indirect.gather [hbm4b:s4+s12], $0x40, s15, s12, $0xb8;
	[tilespmem:$0xCB40] =	vst v63  }
0x8d: {  	_ = 	snop  }
0x8e: {  	[tilespmem:s18], [sflag:$0x1] =	stream.indirect.gather [hbm4b:s4+s12], $0x40, s17, s12, $0xb8;
	[tilespmem:$0xCB40] =	vst v63  }
0x8f: {  	_ = 	snop  }
0x90: {  	[tilespmem:s25], [sflag:$0x1] =	stream.indirect.gather [hbm4b:s4+s12], $0x40, s19, s12, $0xb8;
	[tilespmem:$0xCB40] =	vst v63  }
0x91: {  	_ = 	snop  }
0x92: {  	[tilespmem:s22], [sflag:$0x3] =	stream.linear.gather [hbm4b:s8+s5], $0x1A0, $0x38;
	[tilespmem:$0xCB40] =	vst v63  }
0x93: {  	_ =	swait.ge [sflag:s11], $0x1A0  }
0x94: {  	[sflag:s11] =	ssyncset.done $0x0  }
0x95: {  	[sflag:s11] =	ssyncadd.s32 $0xFFFFFE60  }
0x96: {  	_ =	swait.ge [sflag:s21], $0x1900  }
0x97: {  	[sflag:s21] =	ssyncset.done $0x0  }
0x98: {  	[sflag:s21] =	ssyncadd.s32 $0xFFFFE700  }
0x99: {  	_ =	swait.ge [sflag:s21], $0x1900  }
0x9a: {  	[sflag:s21] =	ssyncset.done $0x0  }
0x9b: {  	[sflag:s21] =	ssyncadd.s32 $0xFFFFE700  }
0x9c: {  	_ =	swait.ge [sflag:s21], $0x1900  }
0x9d: {  	[sflag:s21] =	ssyncset.done $0x0  }
0x9e: {  	[sflag:s21] =	ssyncadd.s32 $0xFFFFE700  }
0x9f: {  	_ =	swait.ge [sflag:s21], $0x1900  }
0xa0: {  	[sflag:s21] =	ssyncset.done $0x0  }
0xa1: {  	s1 =	sadd.s32 s7, s13;
	[sflag:s21] =	ssyncadd.s32 $0xFFFFE700  }
0xa2: {  	[hbm4b:s1+s23] =	stream.strided.scatter [tilespmem:s20], [sflag:$0x2], $0x6400, s24, s23, $0x38;
	[tilespmem:$0xCB40] =	vst v63  }
0xa3: {  	_ = 	snop  }
0xa4: {  	[tilespmem:s26], [sflag:$0x1] =	stream.indirect.gather [hbm4b:s4+s12], $0x40, s22, s12, $0xb8;
	[tilespmem:$0xCB40] =	vst v63  }
0xa5: {  	s3 =	simm.s32 $0x208  }
0xa6: {  	[tilespmem:s28], [sflag:$0x1] =	stream.indirect.gather [hbm4b:s4+s12], $0x40, s3, s12, $0xb8;
	[tilespmem:$0xCB40] =	vst v63  }
0xa7: {  	_ = 	snop  }
0xa8: {  	[tilespmem:s30], [sflag:$0x1] =	stream.indirect.gather [hbm4b:s4+s12], $0x40, s29, s12, $0xb8;
	[tilespmem:$0xCB40] =	vst v63  }
0xa9: {  	_ = 	snop  }
0xaa: {  	[tilespmem:s6], [sflag:$0x1] =	stream.indirect.gather [hbm4b:s4+s12], $0x40, s31, s12, $0xb8;
	[tilespmem:$0xCB40] =	vst v63  }
0xab: {  	_ =	swait.ge [sflag:s21], $0x1900  }
0xac: {  	[sflag:s21] =	ssyncset.done $0x0  }
0xad: {  	[sflag:s21] =	ssyncadd.s32 $0xFFFFE700  }
0xae: {  	_ =	swait.ge [sflag:s21], $0x1900  }
0xaf: {  	[sflag:s21] =	ssyncset.done $0x0  }
0xb0: {  	[sflag:s21] =	ssyncadd.s32 $0xFFFFE700  }
0xb1: {  	_ =	swait.ge [sflag:s21], $0x1900  }
0xb2: {  	p1 =	por $0x1, $0x1;
	[sflag:s21] =	ssyncset.done $0x0  }
0xb3: {  	s7 =	simm.s32 $0x3200;
	p0 =	por $0x0, $0x0;
	[sflag:s21] =	ssyncadd.s32 $0xFFFFE700  }
0xb4: {  	p2 =	por $0x0, $0x0;
	s9 =	simm.s32 $0x68;
	_ =	swait.ge [sflag:s21], $0x1900  }
0xb5: {  	s15 =	simm.s32 $0x1C40;
	s16 =	simm.s32 $0xD0;
	[sflag:s21] =	ssyncset.done $0x0  }
0xb6: {  	s17 =	simm.s32 $0x3540;
	s1 =	sadd.s32 $0x1900, s1;
	[sflag:s21] =	ssyncadd.s32 $0xFFFFE700  }
0xb7: {  	[hbm4b:s1+s23] =	stream.strided.scatter [tilespmem:s26], [sflag:$0x2], $0x6400, s24, s23, $0x38;
	[tilespmem:$0xCB40] =	vst v63  }
0xb8: {  	s18 =	simm.s32 $0x138;
	s19 =	simm.s32 $0x4E40;
	_ =	swait.ge [sflag:s0], $0x6400  }
.Ltmp1:
0xb9: {  	s25 =	simm.s32 $0x208;
	[sflag:s0] =	ssyncset.done $0x0;
	(pc) =	sbr.rel @!p1 .LBB2_7-.Ltmp1, $4  }
0xba: {  	s8 =	simm.s32 $0x0;
	s28 =	simm.s32 $0x270;
	[sflag:s0] =	ssyncadd.s32 $0xFFFF9C00  }
0xbb: {  	s29 =	simm.s32 $0x9940;
	s30 =	simm.s32 $0x2D8;
	_ =	swait.ge [sflag:s0], $0x6400  }
0xbc: {  	s31 =	simm.s32 $0x8040;
	[sflag:s0] =	ssyncset.done $0x0;
	s14 =	rddreg [dreg:$0x5]  }
0xbd: {  	s6 =	simm.s32 $0xB240;
	[sflag:s0] =	ssyncadd.s32 $0xFFFF9C00;
	s10 =	smov.u32 s14  }
0xbe: {  	s1 =	sadd.s32 $0xFFFFFFCC, s14  }
0xbf: {  	[tilespmem:s5], [sflag:$0x3] =	stream.linear.gather [hbm4b:s1+s5], $0x1A0, $0x38;
	[tilespmem:$0xCB40] =	vst v63  }
0xc0: {  	_ =	swait.ge [sflag:s11], $0x1A0  }
0xc1: {  	[sflag:s11] =	ssyncset.done $0x0  }
0xc2: {  	[sflag:s11] =	ssyncadd.s32 $0xFFFFFE60  }
0xc3: {  	[tilespmem:s20], [sflag:$0x1] =	stream.indirect.gather [hbm4b:s4+s12], $0x40, s5, s12, $0xb8;
	[tilespmem:$0xCB40] =	vst v63  }
0xc4: {  	_ = 	snop  }
0xc5: {  	[tilespmem:s15], [sflag:$0x1] =	stream.indirect.gather [hbm4b:s4+s12], $0x40, s9, s12, $0xb8;
	[tilespmem:$0xCB40] =	vst v63  }
0xc6: {  	_ = 	snop  }
0xc7: {  	[tilespmem:s17], [sflag:$0x1] =	stream.indirect.gather [hbm4b:s4+s12], $0x40, s16, s12, $0xb8;
	[tilespmem:$0xCB40] =	vst v63  }
0xc8: {  	_ = 	snop  }
0xc9: {  	[tilespmem:s19], [sflag:$0x1] =	stream.indirect.gather [hbm4b:s4+s12], $0x40, s18, s12, $0xb8;
	[tilespmem:$0xCB40] =	vst v63  }
0xca: {  	_ = 	snop  }
0xcb: {  	[tilespmem:s22], [sflag:$0x3] =	stream.linear.gather [hbm4b:s14+s5], $0x1A0, $0x38;
	[tilespmem:$0xCB40] =	vst v63  }
0xcc: {  	_ =	swait.ge [sflag:s11], $0x1A0  }
0xcd: {  	[sflag:s11] =	ssyncset.done $0x0  }
0xce: {  	[sflag:s11] =	ssyncadd.s32 $0xFFFFFE60  }
0xcf: {  	_ =	swait.ge [sflag:s21], $0x1900  }
0xd0: {  	[sflag:s21] =	ssyncset.done $0x0  }
0xd1: {  	[sflag:s21] =	ssyncadd.s32 $0xFFFFE700  }
0xd2: {  	_ =	swait.ge [sflag:s21], $0x1900  }
0xd3: {  	[sflag:s21] =	ssyncset.done $0x0  }
0xd4: {  	[sflag:s21] =	ssyncadd.s32 $0xFFFFE700  }
0xd5: {  	_ =	swait.ge [sflag:s21], $0x1900  }
0xd6: {  	[sflag:s21] =	ssyncset.done $0x0  }
0xd7: {  	[sflag:s21] =	ssyncadd.s32 $0xFFFFE700  }
0xd8: {  	_ =	swait.ge [sflag:s21], $0x1900  }
0xd9: {  	s10 =	sadd.s32 $0x0, s13;
	[sflag:s21] =	ssyncset.done $0x0  }
0xda: {  	s3 =	sadd.s32 $0x8, s10;
	[sflag:s21] =	ssyncadd.s32 $0xFFFFE700  }
0xdb: {  	[hbm4b:s3+s23] =	stream.strided.scatter [tilespmem:s20], [sflag:$0x2], $0x6400, s24, s23, $0x38;
	[tilespmem:$0xCB40] =	vst v63  }
0xdc: {  	_ = 	snop  }
0xdd: {  	[tilespmem:s26], [sflag:$0x1] =	stream.indirect.gather [hbm4b:s4+s12], $0x40, s22, s12, $0xb8;
	[tilespmem:$0xCB40] =	vst v63  }
0xde: {  	_ = 	snop  }
0xdf: {  	[tilespmem:s31], [sflag:$0x1] =	stream.indirect.gather [hbm4b:s4+s12], $0x40, s25, s12, $0xb8;
	[tilespmem:$0xCB40] =	vst v63  }
0xe0: {  	_ = 	snop  }
0xe1: {  	[tilespmem:s29], [sflag:$0x1] =	stream.indirect.gather [hbm4b:s4+s12], $0x40, s28, s12, $0xb8;
	[tilespmem:$0xCB40] =	vst v63  }
0xe2: {  	_ = 	snop  }
0xe3: {  	[tilespmem:s6], [sflag:$0x1] =	stream.indirect.gather [hbm4b:s4+s12], $0x40, s30, s12, $0xb8;
	[tilespmem:$0xCB40] =	vst v63  }
0xe4: {  	_ =	swait.ge [sflag:s21], $0x1900  }
0xe5: {  	[sflag:s21] =	ssyncset.done $0x0  }
0xe6: {  	[sflag:s21] =	ssyncadd.s32 $0xFFFFE700  }
0xe7: {  	_ =	swait.ge [sflag:s21], $0x1900  }
0xe8: {  	[sflag:s21] =	ssyncset.done $0x0  }
0xe9: {  	[sflag:s21] =	ssyncadd.s32 $0xFFFFE700  }
0xea: {  	_ =	swait.ge [sflag:s21], $0x1900  }
0xeb: {  	[sflag:s21] =	ssyncset.done $0x0  }
0xec: {  	[sflag:s21] =	ssyncadd.s32 $0xFFFFE700  }
0xed: {  	_ =	swait.ge [sflag:s21], $0x1900  }
0xee: {  	[sflag:s21] =	ssyncset.done $0x0  }
0xef: {  	p3 =	por $0x1, $0x1;
	s1 =	sadd.s32 $0x1908, s10;
	[sflag:s21] =	ssyncadd.s32 $0xFFFFE700  }
0xf0: {  	[hbm4b:s1+s23] =	stream.strided.scatter [tilespmem:s26], [sflag:$0x2], $0x6400, s24, s23, $0x38;
	[tilespmem:$0xCB40] =	vst v63  }
.Ltmp2:
0xf1: {  	_ =	swait.ge [sflag:s0], $0x6400;
	(pc) =	sbr.rel @!p3 .LBB2_5-.Ltmp2, $4  }
0xf2: {  	[sflag:s0] =	ssyncset.done $0x0  }
0xf3: {  	[sflag:s0] =	ssyncadd.s32 $0xFFFF9C00  }
0xf4: {  	p2 =	por $0x1, $0x1;
	s8 =	simm.s32 $0x3200;
	_ =	swait.ge [sflag:s0], $0x6400  }
0xf5: {  	s10 =	sadd.s32 $0x68, s14;
	s1 =	simm.s32 $0x6400;
	[sflag:s0] =	ssyncset.done $0x0  }
.LBB2_6:
0xf6: {  	p3 =	sne.s32 s1, $0x15E00;
	s3 =	sadd.s32 $0xFFFFFFCC, s10;
	[sflag:s0] =	ssyncadd.s32 $0xFFFF9C00  }
0xf7: {  	[tilespmem:s5], [sflag:$0x3] =	stream.linear.gather [hbm4b:s3+s5], $0x1A0, $0x38;
	[tilespmem:$0xCB40] =	vst v63  }
0xf8: {  	s3 =	smov.u32 s1;
	s1 =	sadd.s32 $0x3200, s1;
	_ =	swait.ge [sflag:s11], $0x1A0  }
0xf9: {  	[sflag:s11] =	ssyncset.done $0x0  }
0xfa: {  	[sflag:s11] =	ssyncadd.s32 $0xFFFFFE60  }
0xfb: {  	[tilespmem:s20], [sflag:$0x1] =	stream.indirect.gather [hbm4b:s4+s12], $0x40, s5, s12, $0xb8;
	[tilespmem:$0xCB40] =	vst v63  }
0xfc: {  	_ = 	snop  }
0xfd: {  	[tilespmem:s15], [sflag:$0x1] =	stream.indirect.gather [hbm4b:s4+s12], $0x40, s9, s12, $0xb8;
	[tilespmem:$0xCB40] =	vst v63  }
0xfe: {  	_ = 	snop  }
0xff: {  	[tilespmem:s17], [sflag:$0x1] =	stream.indirect.gather [hbm4b:s4+s12], $0x40, s16, s12, $0xb8;
	[tilespmem:$0xCB40] =	vst v63  }
0x100: {  	_ = 	snop  }
0x101: {  	[tilespmem:s19], [sflag:$0x1] =	stream.indirect.gather [hbm4b:s4+s12], $0x40, s18, s12, $0xb8;
	[tilespmem:$0xCB40] =	vst v63  }
0x102: {  	_ = 	snop  }
0x103: {  	[tilespmem:s22], [sflag:$0x3] =	stream.linear.gather [hbm4b:s10+s5], $0x1A0, $0x38;
	[tilespmem:$0xCB40] =	vst v63  }
0x104: {  	_ =	swait.ge [sflag:s11], $0x1A0  }
0x105: {  	[sflag:s11] =	ssyncset.done $0x0  }
0x106: {  	[sflag:s11] =	ssyncadd.s32 $0xFFFFFE60  }
0x107: {  	_ =	swait.ge [sflag:s21], $0x1900  }
0x108: {  	[sflag:s21] =	ssyncset.done $0x0  }
0x109: {  	[sflag:s21] =	ssyncadd.s32 $0xFFFFE700  }
0x10a: {  	_ =	swait.ge [sflag:s21], $0x1900  }
0x10b: {  	[sflag:s21] =	ssyncset.done $0x0  }
0x10c: {  	[sflag:s21] =	ssyncadd.s32 $0xFFFFE700  }
0x10d: {  	_ =	swait.ge [sflag:s21], $0x1900  }
0x10e: {  	[sflag:s21] =	ssyncset.done $0x0  }
0x10f: {  	[sflag:s21] =	ssyncadd.s32 $0xFFFFE700  }
0x110: {  	_ =	swait.ge [sflag:s21], $0x1900  }
0x111: {  	s9 =	sadd.s32 s8, s13;
	s8 =	smov.u32 s3;
	[sflag:s21] =	ssyncset.done $0x0  }
0x112: {  	s3 =	sadd.s32 $0x8, s9;
	[sflag:s21] =	ssyncadd.s32 $0xFFFFE700  }
0x113: {  	[hbm4b:s3+s23] =	stream.strided.scatter [tilespmem:s20], [sflag:$0x2], $0x6400, s24, s23, $0x38;
	[tilespmem:$0xCB40] =	vst v63  }
0x114: {  	_ = 	snop  }
0x115: {  	[tilespmem:s26], [sflag:$0x1] =	stream.indirect.gather [hbm4b:s4+s12], $0x40, s22, s12, $0xb8;
	[tilespmem:$0xCB40] =	vst v63  }
0x116: {  	_ = 	snop  }
0x117: {  	[tilespmem:s31], [sflag:$0x1] =	stream.indirect.gather [hbm4b:s4+s12], $0x40, s25, s12, $0xb8;
	[tilespmem:$0xCB40] =	vst v63  }
0x118: {  	_ = 	snop  }
0x119: {  	[tilespmem:s29], [sflag:$0x1] =	stream.indirect.gather [hbm4b:s4+s12], $0x40, s28, s12, $0xb8;
	[tilespmem:$0xCB40] =	vst v63  }
0x11a: {  	_ = 	snop  }
0x11b: {  	[tilespmem:s6], [sflag:$0x1] =	stream.indirect.gather [hbm4b:s4+s12], $0x40, s30, s12, $0xb8;
	[tilespmem:$0xCB40] =	vst v63  }
0x11c: {  	_ =	swait.ge [sflag:s21], $0x1900  }
0x11d: {  	[sflag:s21] =	ssyncset.done $0x0  }
0x11e: {  	[sflag:s21] =	ssyncadd.s32 $0xFFFFE700  }
0x11f: {  	_ =	swait.ge [sflag:s21], $0x1900  }
0x120: {  	[sflag:s21] =	ssyncset.done $0x0  }
0x121: {  	[sflag:s21] =	ssyncadd.s32 $0xFFFFE700  }
0x122: {  	_ =	swait.ge [sflag:s21], $0x1900  }
0x123: {  	[sflag:s21] =	ssyncset.done $0x0  }
0x124: {  	[sflag:s21] =	ssyncadd.s32 $0xFFFFE700  }
0x125: {  	_ =	swait.ge [sflag:s21], $0x1900  }
0x126: {  	[sflag:s21] =	ssyncset.done $0x0  }
0x127: {  	s3 =	sadd.s32 $0x1908, s9;
	s9 =	simm.s32 $0x68;
	[sflag:s21] =	ssyncadd.s32 $0xFFFFE700  }
0x128: {  	[hbm4b:s3+s23] =	stream.strided.scatter [tilespmem:s26], [sflag:$0x2], $0x6400, s24, s23, $0x38;
	[tilespmem:$0xCB40] =	vst v63  }
.Ltmp3:
0x129: {  	_ =	swait.ge [sflag:s0], $0x6400;
	(pc) =	sbr.rel @p3 .LBB2_6-.Ltmp3, $4  }
0x12a: {  	[sflag:s0] =	ssyncset.done $0x0  }
0x12b: {  	[sflag:s0] =	ssyncadd.s32 $0xFFFF9C00  }
0x12c: {  	_ =	swait.ge [sflag:s0], $0x6400  }
0x12d: {  	s10 =	sadd.s32 $0x68, s10;
	[sflag:s0] =	ssyncset.done $0x0  }
.LBB2_7:
0x12e: {  	s1 =	sadd.s32 $0xFFFFFFCC, s10;
	[sflag:s0] =	ssyncadd.s32 @p2 $0xFFFF9C00  }
0x12f: {  	[tilespmem:s5], [sflag:$0x3] =	stream.linear.gather [hbm4b:s1+s5], $0x1A0, $0x38;
	[tilespmem:$0xCB40] =	vst v63  }
0x130: {  	_ =	swait.ge [sflag:s11], $0x1A0  }
0x131: {  	[sflag:s11] =	ssyncset.done $0x0  }
0x132: {  	[sflag:s11] =	ssyncadd.s32 $0xFFFFFE60  }
0x133: {  	[tilespmem:s20], [sflag:$0x1] =	stream.indirect.gather [hbm4b:s4+s12], $0x40, s5, s12, $0xb8;
	[tilespmem:$0xCB40] =	vst v63  }
0x134: {  	_ = 	snop  }
0x135: {  	[tilespmem:s15], [sflag:$0x1] =	stream.indirect.gather [hbm4b:s4+s12], $0x40, s9, s12, $0xb8;
	[tilespmem:$0xCB40] =	vst v63  }
0x136: {  	_ = 	snop  }
0x137: {  	[tilespmem:s17], [sflag:$0x1] =	stream.indirect.gather [hbm4b:s4+s12], $0x40, s16, s12, $0xb8;
	[tilespmem:$0xCB40] =	vst v63  }
0x138: {  	_ = 	snop  }
0x139: {  	[tilespmem:s19], [sflag:$0x1] =	stream.indirect.gather [hbm4b:s4+s12], $0x40, s18, s12, $0xb8;
	[tilespmem:$0xCB40] =	vst v63  }
0x13a: {  	_ = 	snop  }
0x13b: {  	[tilespmem:s22], [sflag:$0x3] =	stream.linear.gather [hbm4b:s10+s5], $0x1A0, $0x38;
	[tilespmem:$0xCB40] =	vst v63  }
0x13c: {  	_ =	swait.ge [sflag:s11], $0x1A0  }
0x13d: {  	[sflag:s11] =	ssyncset.done $0x0  }
0x13e: {  	[sflag:s11] =	ssyncadd.s32 $0xFFFFFE60  }
0x13f: {  	_ =	swait.ge [sflag:s21], $0x1900  }
0x140: {  	[sflag:s21] =	ssyncset.done $0x0  }
0x141: {  	[sflag:s21] =	ssyncadd.s32 $0xFFFFE700  }
0x142: {  	_ =	swait.ge [sflag:s21], $0x1900  }
0x143: {  	[sflag:s21] =	ssyncset.done $0x0  }
0x144: {  	[sflag:s21] =	ssyncadd.s32 $0xFFFFE700  }
0x145: {  	_ =	swait.ge [sflag:s21], $0x1900  }
0x146: {  	[sflag:s21] =	ssyncset.done $0x0  }
0x147: {  	[sflag:s21] =	ssyncadd.s32 $0xFFFFE700  }
0x148: {  	_ =	swait.ge [sflag:s21], $0x1900  }
0x149: {  	s19 =	sadd.s32 s8, s13;
	[sflag:s21] =	ssyncset.done $0x0  }
0x14a: {  	s3 =	sadd.s32 $0x8, s19;
	[sflag:s21] =	ssyncadd.s32 $0xFFFFE700  }
0x14b: {  	[hbm4b:s3+s23] =	stream.strided.scatter [tilespmem:s20], [sflag:$0x2], $0x6400, s24, s23, $0x38;
	[tilespmem:$0xCB40] =	vst v63  }
0x14c: {  	_ = 	snop  }
0x14d: {  	[tilespmem:s26], [sflag:$0x1] =	stream.indirect.gather [hbm4b:s4+s12], $0x40, s22, s12, $0xb8;
	[tilespmem:$0xCB40] =	vst v63  }
0x14e: {  	_ = 	snop  }
0x14f: {  	[tilespmem:s31], [sflag:$0x1] =	stream.indirect.gather [hbm4b:s4+s12], $0x40, s25, s12, $0xb8;
	[tilespmem:$0xCB40] =	vst v63  }
0x150: {  	_ = 	snop  }
0x151: {  	[tilespmem:s29], [sflag:$0x1] =	stream.indirect.gather [hbm4b:s4+s12], $0x40, s28, s12, $0xb8;
	[tilespmem:$0xCB40] =	vst v63  }
0x152: {  	_ = 	snop  }
0x153: {  	[tilespmem:s6], [sflag:$0x1] =	stream.indirect.gather [hbm4b:s4+s12], $0x40, s30, s12, $0xb8;
	[tilespmem:$0xCB40] =	vst v63  }
0x154: {  	_ =	swait.ge [sflag:s21], $0x1900  }
0x155: {  	[sflag:s21] =	ssyncset.done $0x0  }
0x156: {  	[sflag:s21] =	ssyncadd.s32 $0xFFFFE700  }
0x157: {  	_ =	swait.ge [sflag:s21], $0x1900  }
0x158: {  	[sflag:s21] =	ssyncset.done $0x0  }
0x159: {  	[sflag:s21] =	ssyncadd.s32 $0xFFFFE700  }
0x15a: {  	_ =	swait.ge [sflag:s21], $0x1900  }
0x15b: {  	[sflag:s21] =	ssyncset.done $0x0  }
0x15c: {  	s15 =	simm.s32 $0x68;
	s17 =	simm.s32 $0xD0;
	[sflag:s21] =	ssyncadd.s32 $0xFFFFE700  }
0x15d: {  	s16 =	simm.s32 $0x1C40;
	s18 =	simm.s32 $0x3540;
	_ =	swait.ge [sflag:s21], $0x1900  }
0x15e: {  	s13 =	simm.s32 $0x340;
	s1 =	sadd.s32 $0x1908, s19;
	[sflag:s21] =	ssyncset.done $0x0  }
0x15f: {  	s19 =	simm.s32 $0x138;
	s10 =	simm.s32 $0x0;
	[sflag:s21] =	ssyncadd.s32 $0xFFFFE700  }
0x160: {  	[hbm4b:s1+s23] =	stream.strided.scatter [tilespmem:s26], [sflag:$0x2], $0x6400, s24, s23, $0x38;
	[tilespmem:$0xCB40] =	vst v63  }
0x161: {  	s20 =	simm.s32 $0x1A0;
	s22 =	simm.s32 $0x40;
	_ =	swait.ge [sflag:s0], $0x6400  }
0x162: {  	s31 =	simm.s32 $0x2D8;
	s25 =	simm.s32 $0x4E40;
	[sflag:s0] =	ssyncset.done $0x0  }
.Ltmp4:
0x163: {  	s29 =	simm.s32 $0x270;
	[sflag:s0] =	ssyncadd.s32 $0xFFFF9C00;
	(pc) =	sbr.rel @!p1 .LBB2_12-.Ltmp4, $4  }
0x164: {  	s28 =	simm.s32 $0x8040;
	s6 =	simm.s32 $0xB240;
	_ =	swait.ge [sflag:s0], $0x6400  }
0x165: {  	s30 =	simm.s32 $0x9940;
	s26 =	simm.s32 $0x208;
	s8 =	rddreg [dreg:$0x7]  }
0x166: {  	s23 =	simm.s32 $0x80;
	[sflag:s0] =	ssyncset.done $0x0;
	s9 =	rddreg [dreg:$0x6]  }
0x167: {  	s24 =	simm.s32 $0x6740;
	s3 =	rddreg [dreg:$0x9];
	[sflag:s0] =	ssyncadd.s32 $0xFFFF9C00  }
0x168: {  	s3 =	rddreg [dreg:$0x7]  }
0x169: {  	s1 =	sadd.s32 $0xFFFFFFCC, s3  }
0x16a: {  	[tilespmem:s10], [sflag:$0x3] =	stream.linear.gather [hbm4b:s1+s10], $0x1A0, $0x38;
	[tilespmem:$0xCB40] =	vst v63  }
0x16b: {  	_ =	swait.ge [sflag:s11], $0x1A0  }
0x16c: {  	[sflag:s11] =	ssyncset.done $0x0  }
0x16d: {  	[sflag:s11] =	ssyncadd.s32 $0xFFFFFE60  }
0x16e: {  	[tilespmem:s13], [sflag:$0x1] =	stream.indirect.gather [hbm4b:s2+s12], $0x40, s10, s12, $0xb8;
	[tilespmem:$0xCB40] =	vst v63  }
0x16f: {  	_ = 	snop  }
0x170: {  	[tilespmem:s16], [sflag:$0x1] =	stream.indirect.gather [hbm4b:s2+s12], $0x40, s15, s12, $0xb8;
	[tilespmem:$0xCB40] =	vst v63  }
0x171: {  	_ = 	snop  }
0x172: {  	[tilespmem:s18], [sflag:$0x1] =	stream.indirect.gather [hbm4b:s2+s12], $0x40, s17, s12, $0xb8;
	[tilespmem:$0xCB40] =	vst v63  }
0x173: {  	_ = 	snop  }
0x174: {  	[tilespmem:s25], [sflag:$0x1] =	stream.indirect.gather [hbm4b:s2+s12], $0x40, s19, s12, $0xb8;
	[tilespmem:$0xCB40] =	vst v63  }
0x175: {  	_ = 	snop  }
0x176: {  	[tilespmem:s20], [sflag:$0x3] =	stream.linear.gather [hbm4b:s3+s10], $0x1A0, $0x38;
	[tilespmem:$0xCB40] =	vst v63  }
0x177: {  	_ =	swait.ge [sflag:s11], $0x1A0  }
0x178: {  	[sflag:s11] =	ssyncset.done $0x0  }
0x179: {  	[sflag:s11] =	ssyncadd.s32 $0xFFFFFE60  }
0x17a: {  	_ =	swait.ge [sflag:s21], $0x1900  }
0x17b: {  	[sflag:s21] =	ssyncset.done $0x0  }
0x17c: {  	[sflag:s21] =	ssyncadd.s32 $0xFFFFE700  }
0x17d: {  	_ =	swait.ge [sflag:s21], $0x1900  }
0x17e: {  	[sflag:s21] =	ssyncset.done $0x0  }
0x17f: {  	[sflag:s21] =	ssyncadd.s32 $0xFFFFE700  }
0x180: {  	_ =	swait.ge [sflag:s21], $0x1900  }
0x181: {  	[sflag:s21] =	ssyncset.done $0x0  }
0x182: {  	[sflag:s21] =	ssyncadd.s32 $0xFFFFE700  }
0x183: {  	_ =	swait.ge [sflag:s21], $0x1900  }
0x184: {  	[sflag:s21] =	ssyncset.done $0x0  }
0x185: {  	s14 =	sadd.s32 $0x0, s9;
	[sflag:s21] =	ssyncadd.s32 $0xFFFFE700  }
0x186: {  	[hbm4b:s14+s22] =	stream.strided.scatter [tilespmem:s13], [sflag:$0x2], $0x6400, s23, s22, $0x38;
	[tilespmem:$0xCB40] =	vst v63  }
0x187: {  	_ = 	snop  }
0x188: {  	[tilespmem:s24], [sflag:$0x1] =	stream.indirect.gather [hbm4b:s2+s12], $0x40, s20, s12, $0xb8;
	[tilespmem:$0xCB40] =	vst v63  }
0x189: {  	_ = 	snop  }
0x18a: {  	[tilespmem:s28], [sflag:$0x1] =	stream.indirect.gather [hbm4b:s2+s12], $0x40, s26, s12, $0xb8;
	[tilespmem:$0xCB40] =	vst v63  }
0x18b: {  	_ = 	snop  }
0x18c: {  	[tilespmem:s30], [sflag:$0x1] =	stream.indirect.gather [hbm4b:s2+s12], $0x40, s29, s12, $0xb8;
	[tilespmem:$0xCB40] =	vst v63  }
0x18d: {  	_ = 	snop  }
0x18e: {  	[tilespmem:s6], [sflag:$0x1] =	stream.indirect.gather [hbm4b:s2+s12], $0x40, s31, s12, $0xb8;
	[tilespmem:$0xCB40] =	vst v63  }
0x18f: {  	_ =	swait.ge [sflag:s21], $0x1900  }
0x190: {  	[sflag:s21] =	ssyncset.done $0x0  }
0x191: {  	[sflag:s21] =	ssyncadd.s32 $0xFFFFE700  }
0x192: {  	_ =	swait.ge [sflag:s21], $0x1900  }
0x193: {  	[sflag:s21] =	ssyncset.done $0x0  }
0x194: {  	[sflag:s21] =	ssyncadd.s32 $0xFFFFE700  }
0x195: {  	_ =	swait.ge [sflag:s21], $0x1900  }
0x196: {  	[sflag:s21] =	ssyncset.done $0x0  }
0x197: {  	[sflag:s21] =	ssyncadd.s32 $0xFFFFE700  }
0x198: {  	_ =	swait.ge [sflag:s21], $0x1900  }
0x199: {  	[sflag:s21] =	ssyncset.done $0x0  }
0x19a: {  	p1 =	por $0x1, $0x1;
	s1 =	sadd.s32 $0x1900, s14;
	[sflag:s21] =	ssyncadd.s32 $0xFFFFE700  }
0x19b: {  	[hbm4b:s1+s22] =	stream.strided.scatter [tilespmem:s24], [sflag:$0x2], $0x6400, s23, s22, $0x38;
	[tilespmem:$0xCB40] =	vst v63  }
.Ltmp5:
0x19c: {  	_ =	swait.ge [sflag:s0], $0x6400;
	(pc) =	sbr.rel @!p1 .LBB2_9-.Ltmp5, $4  }
0x19d: {  	[sflag:s0] =	ssyncset.done $0x0  }
0x19e: {  	[sflag:s0] =	ssyncadd.s32 $0xFFFF9C00  }
0x19f: {  	p0 =	por $0x1, $0x1;
	_ =	swait.ge [sflag:s0], $0x6400  }
0x1a0: {  	s8 =	sadd.s32 $0x68, s3;
	s1 =	simm.s32 $0x6400;
	[sflag:s0] =	ssyncset.done $0x0  }
.LBB2_10:
0x1a1: {  	p1 =	sne.s32 s1, $0x15E00;
	s3 =	sadd.s32 $0xFFFFFFCC, s8;
	[sflag:s0] =	ssyncadd.s32 $0xFFFF9C00  }
0x1a2: {  	[tilespmem:s10], [sflag:$0x3] =	stream.linear.gather [hbm4b:s3+s10], $0x1A0, $0x38;
	[tilespmem:$0xCB40] =	vst v63  }
0x1a3: {  	s3 =	smov.u32 s1;
	s1 =	sadd.s32 $0x3200, s1;
	_ =	swait.ge [sflag:s11], $0x1A0  }
0x1a4: {  	[sflag:s11] =	ssyncset.done $0x0  }
0x1a5: {  	[sflag:s11] =	ssyncadd.s32 $0xFFFFFE60  }
0x1a6: {  	[tilespmem:s13], [sflag:$0x1] =	stream.indirect.gather [hbm4b:s2+s12], $0x40, s10, s12, $0xb8;
	[tilespmem:$0xCB40] =	vst v63  }
0x1a7: {  	_ = 	snop  }
0x1a8: {  	[tilespmem:s16], [sflag:$0x1] =	stream.indirect.gather [hbm4b:s2+s12], $0x40, s15, s12, $0xb8;
	[tilespmem:$0xCB40] =	vst v63  }
0x1a9: {  	_ = 	snop  }
0x1aa: {  	[tilespmem:s18], [sflag:$0x1] =	stream.indirect.gather [hbm4b:s2+s12], $0x40, s17, s12, $0xb8;
	[tilespmem:$0xCB40] =	vst v63  }
0x1ab: {  	_ = 	snop  }
0x1ac: {  	[tilespmem:s25], [sflag:$0x1] =	stream.indirect.gather [hbm4b:s2+s12], $0x40, s19, s12, $0xb8;
	[tilespmem:$0xCB40] =	vst v63  }
0x1ad: {  	_ = 	snop  }
0x1ae: {  	[tilespmem:s20], [sflag:$0x3] =	stream.linear.gather [hbm4b:s8+s10], $0x1A0, $0x38;
	[tilespmem:$0xCB40] =	vst v63  }
0x1af: {  	_ =	swait.ge [sflag:s11], $0x1A0  }
0x1b0: {  	[sflag:s11] =	ssyncset.done $0x0  }
0x1b1: {  	[sflag:s11] =	ssyncadd.s32 $0xFFFFFE60  }
0x1b2: {  	_ =	swait.ge [sflag:s21], $0x1900  }
0x1b3: {  	[sflag:s21] =	ssyncset.done $0x0  }
0x1b4: {  	[sflag:s21] =	ssyncadd.s32 $0xFFFFE700  }
0x1b5: {  	_ =	swait.ge [sflag:s21], $0x1900  }
0x1b6: {  	[sflag:s21] =	ssyncset.done $0x0  }
0x1b7: {  	[sflag:s21] =	ssyncadd.s32 $0xFFFFE700  }
0x1b8: {  	_ =	swait.ge [sflag:s21], $0x1900  }
0x1b9: {  	[sflag:s21] =	ssyncset.done $0x0  }
0x1ba: {  	[sflag:s21] =	ssyncadd.s32 $0xFFFFE700  }
0x1bb: {  	_ =	swait.ge [sflag:s21], $0x1900  }
0x1bc: {  	[sflag:s21] =	ssyncset.done $0x0  }
0x1bd: {  	s5 =	sadd.s32 s7, s9;
	s7 =	smov.u32 s3;
	[sflag:s21] =	ssyncadd.s32 $0xFFFFE700  }
0x1be: {  	[hbm4b:s5+s22] =	stream.strided.scatter [tilespmem:s13], [sflag:$0x2], $0x6400, s23, s22, $0x38;
	[tilespmem:$0xCB40] =	vst v63  }
0x1bf: {  	_ = 	snop  }
0x1c0: {  	[tilespmem:s24], [sflag:$0x1] =	stream.indirect.gather [hbm4b:s2+s12], $0x40, s20, s12, $0xb8;
	[tilespmem:$0xCB40] =	vst v63  }
0x1c1: {  	_ = 	snop  }
0x1c2: {  	[tilespmem:s28], [sflag:$0x1] =	stream.indirect.gather [hbm4b:s2+s12], $0x40, s26, s12, $0xb8;
	[tilespmem:$0xCB40] =	vst v63  }
0x1c3: {  	_ = 	snop  }
0x1c4: {  	[tilespmem:s30], [sflag:$0x1] =	stream.indirect.gather [hbm4b:s2+s12], $0x40, s29, s12, $0xb8;
	[tilespmem:$0xCB40] =	vst v63  }
0x1c5: {  	_ = 	snop  }
0x1c6: {  	[tilespmem:s6], [sflag:$0x1] =	stream.indirect.gather [hbm4b:s2+s12], $0x40, s31, s12, $0xb8;
	[tilespmem:$0xCB40] =	vst v63  }
0x1c7: {  	_ =	swait.ge [sflag:s21], $0x1900  }
0x1c8: {  	[sflag:s21] =	ssyncset.done $0x0  }
0x1c9: {  	[sflag:s21] =	ssyncadd.s32 $0xFFFFE700  }
0x1ca: {  	_ =	swait.ge [sflag:s21], $0x1900  }
0x1cb: {  	[sflag:s21] =	ssyncset.done $0x0  }
0x1cc: {  	[sflag:s21] =	ssyncadd.s32 $0xFFFFE700  }
0x1cd: {  	_ =	swait.ge [sflag:s21], $0x1900  }
0x1ce: {  	[sflag:s21] =	ssyncset.done $0x0  }
0x1cf: {  	[sflag:s21] =	ssyncadd.s32 $0xFFFFE700  }
0x1d0: {  	_ =	swait.ge [sflag:s21], $0x1900  }
0x1d1: {  	[sflag:s21] =	ssyncset.done $0x0  }
0x1d2: {  	s3 =	sadd.s32 $0x1900, s5;
	[sflag:s21] =	ssyncadd.s32 $0xFFFFE700  }
0x1d3: {  	[hbm4b:s3+s22] =	stream.strided.scatter [tilespmem:s24], [sflag:$0x2], $0x6400, s23, s22, $0x38;
	[tilespmem:$0xCB40] =	vst v63  }
.Ltmp6:
0x1d4: {  	_ =	swait.ge [sflag:s0], $0x6400;
	(pc) =	sbr.rel @p1 .LBB2_10-.Ltmp6, $4  }
0x1d5: {  	[sflag:s0] =	ssyncset.done $0x0  }
0x1d6: {  	[sflag:s0] =	ssyncadd.s32 $0xFFFF9C00  }
0x1d7: {  	_ =	swait.ge [sflag:s0], $0x6400  }
0x1d8: {  	s8 =	sadd.s32 $0x68, s8;
	[sflag:s0] =	ssyncset.done $0x0  }
0x1d9: {  	s5 =	smov.u32 s7;
	s3 =	rddreg [dreg:$0x9]  }
.LBB2_12:
0x1da: {  	s1 =	sadd.s32 $0xFFFFFFCC, s8;
	[sflag:s0] =	ssyncadd.s32 @p0 $0xFFFF9C00  }
0x1db: {  	[tilespmem:s10], [sflag:$0x3] =	stream.linear.gather [hbm4b:s1+s10], $0x1A0, $0x38;
	[tilespmem:$0xCB40] =	vst v63  }
0x1dc: {  	_ =	swait.ge [sflag:s11], $0x1A0  }
0x1dd: {  	[sflag:s11] =	ssyncset.done $0x0  }
0x1de: {  	[sflag:s11] =	ssyncadd.s32 $0xFFFFFE60  }
0x1df: {  	[tilespmem:s13], [sflag:$0x1] =	stream.indirect.gather [hbm4b:s2+s12], $0x40, s10, s12, $0xb8;
	[tilespmem:$0xCB40] =	vst v63  }
0x1e0: {  	_ = 	snop  }
0x1e1: {  	[tilespmem:s16], [sflag:$0x1] =	stream.indirect.gather [hbm4b:s2+s12], $0x40, s15, s12, $0xb8;
	[tilespmem:$0xCB40] =	vst v63  }
0x1e2: {  	_ = 	snop  }
0x1e3: {  	[tilespmem:s18], [sflag:$0x1] =	stream.indirect.gather [hbm4b:s2+s12], $0x40, s17, s12, $0xb8;
	[tilespmem:$0xCB40] =	vst v63  }
0x1e4: {  	_ = 	snop  }
0x1e5: {  	[tilespmem:s25], [sflag:$0x1] =	stream.indirect.gather [hbm4b:s2+s12], $0x40, s19, s12, $0xb8;
	[tilespmem:$0xCB40] =	vst v63  }
0x1e6: {  	_ = 	snop  }
0x1e7: {  	[tilespmem:s20], [sflag:$0x3] =	stream.linear.gather [hbm4b:s8+s10], $0x1A0, $0x38;
	[tilespmem:$0xCB40] =	vst v63  }
0x1e8: {  	_ =	swait.ge [sflag:s11], $0x1A0  }
0x1e9: {  	[sflag:s11] =	ssyncset.done $0x0  }
0x1ea: {  	[sflag:s11] =	ssyncadd.s32 $0xFFFFFE60  }
0x1eb: {  	_ =	swait.ge [sflag:s21], $0x1900  }
0x1ec: {  	[sflag:s21] =	ssyncset.done $0x0  }
0x1ed: {  	[sflag:s21] =	ssyncadd.s32 $0xFFFFE700  }
0x1ee: {  	_ =	swait.ge [sflag:s21], $0x1900  }
0x1ef: {  	[sflag:s21] =	ssyncset.done $0x0  }
0x1f0: {  	[sflag:s21] =	ssyncadd.s32 $0xFFFFE700  }
0x1f1: {  	_ =	swait.ge [sflag:s21], $0x1900  }
0x1f2: {  	[sflag:s21] =	ssyncset.done $0x0  }
0x1f3: {  	[sflag:s21] =	ssyncadd.s32 $0xFFFFE700  }
0x1f4: {  	_ =	swait.ge [sflag:s21], $0x1900  }
0x1f5: {  	[sflag:s21] =	ssyncset.done $0x0  }
0x1f6: {  	s14 =	sadd.s32 s5, s9;
	[sflag:s21] =	ssyncadd.s32 $0xFFFFE700  }
0x1f7: {  	[hbm4b:s14+s22] =	stream.strided.scatter [tilespmem:s13], [sflag:$0x2], $0x6400, s23, s22, $0x38;
	[tilespmem:$0xCB40] =	vst v63  }
0x1f8: {  	_ = 	snop  }
0x1f9: {  	[tilespmem:s24], [sflag:$0x1] =	stream.indirect.gather [hbm4b:s2+s12], $0x40, s20, s12, $0xb8;
	[tilespmem:$0xCB40] =	vst v63  }
0x1fa: {  	_ = 	snop  }
0x1fb: {  	[tilespmem:s28], [sflag:$0x1] =	stream.indirect.gather [hbm4b:s2+s12], $0x40, s26, s12, $0xb8;
	[tilespmem:$0xCB40] =	vst v63  }
0x1fc: {  	_ = 	snop  }
0x1fd: {  	[tilespmem:s30], [sflag:$0x1] =	stream.indirect.gather [hbm4b:s2+s12], $0x40, s29, s12, $0xb8;
	[tilespmem:$0xCB40] =	vst v63  }
0x1fe: {  	_ = 	snop  }
0x1ff: {  	[tilespmem:s6], [sflag:$0x1] =	stream.indirect.gather [hbm4b:s2+s12], $0x40, s31, s12, $0xb8;
	[tilespmem:$0xCB40] =	vst v63  }
0x200: {  	_ =	swait.ge [sflag:s21], $0x1900  }
0x201: {  	[sflag:s21] =	ssyncset.done $0x0  }
0x202: {  	[sflag:s21] =	ssyncadd.s32 $0xFFFFE700  }
0x203: {  	_ =	swait.ge [sflag:s21], $0x1900  }
0x204: {  	[sflag:s21] =	ssyncset.done $0x0  }
0x205: {  	[sflag:s21] =	ssyncadd.s32 $0xFFFFE700  }
0x206: {  	_ =	swait.ge [sflag:s21], $0x1900  }
0x207: {  	[sflag:s21] =	ssyncset.done $0x0  }
0x208: {  	[sflag:s21] =	ssyncadd.s32 $0xFFFFE700  }
0x209: {  	_ =	swait.ge [sflag:s21], $0x1900  }
0x20a: {  	[sflag:s21] =	ssyncset.done $0x0  }
0x20b: {  	s1 =	sadd.s32 $0x1900, s14;
	[sflag:s21] =	ssyncadd.s32 $0xFFFFE700  }
0x20c: {  	[hbm4b:s1+s22] =	stream.strided.scatter [tilespmem:s24], [sflag:$0x2], $0x6400, s23, s22, $0x38;
	[tilespmem:$0xCB40] =	vst v63  }
0x20d: {  	_ =	swait.ge [sflag:s0], $0x6400  }
0x20e: {  	[sflag:s0] =	ssyncset.done $0x0  }
0x20f: {  	[sflag:s0] =	ssyncadd.s32 $0xFFFF9C00  }
0x210: {  	_ =	swait.ge [sflag:s0], $0x6400  }
0x211: {  	s3 =	sadd.s32 $0x1, s3;
	s26 =	rddreg [dreg:$0x3]  }
0x212: {  	p0 =	sne.s32 s3, s26  }
.Ltmp7:
0x213: {  	_ = 	snop;
	(pc) =	sbr.rel @p0 .LBB2_1-.Ltmp7, $4  }
.Ltmp8:
0x214: {  	_ = 	snop;
	(pc) =	sbr.rel @!p0 .LBB2_13-.Ltmp8, $4  }
0x215: {  	_ = 	snop  }
0x216: {  	[sflag:s0] =	ssyncset.done $0x0  }
0x217: {  	[sflag:s0] =	ssyncadd.s32 $0xFFFF9C00  }
0x218: {  	_ = 	snop  }
.LBB2_5:
.Ltmp9:
0x219: {  	(pc) =	sbr.rel .LBB2_7-.Ltmp9, $2  }
0x21a: {  	_ =	sdelay $0x2  }
0x21b: {  	s8 =	simm.s32 $0x3200  }
.LBB2_9:
.Ltmp10:
0x21c: {  	(pc) =	sbr.rel .LBB2_12-.Ltmp10, $2  }
0x21d: {  	_ =	sdelay $0x2  }
0x21e: {  	s5 =	simm.s32 $0x3200;
	s3 =	rddreg [dreg:$0x9]  }
.LBB2_13:
0x21f: {  	_ =	sfence.sel $0x180000  }
0x220: {  	[bflag:$0x0] =	sbarrier.arrive $0xFFFF  }
0x221: {  	_ =	strace $0x90000047  }
0x222: {  	s0 =	stileid.u32;
	[bflag:$0x2] =	sbarrier.arrive $0xFFFF  }
0x223: {  	p0 =	sne.s32 s0, $0x0;
	s0 =	rddreg [dreg:$0x2]  }
0x224: {  	s0 =	sadd.s32 @!p0 $0x100000, s0  }
0x225: {  	[sflag:s0] =	ssyncadd.tile.s32 @!p0 $0x1;
	_ =	shalt  }
.Lfunc_end2:
_tile_overlayer_lowered:
.L_overlay_start_2:
0x226: {  	(tag) =	ssettag $0x2  }
0x227: {  	s0 =	rddreg [dreg:$0x0];
	s2 =	stileid.u32  }
0x228: {  	s1 =	rddreg [dreg:$0x1];
	p0 =	sne.s32 s2, $0x0  }
0x229: {  	s3 =	rddreg [dreg:$0x2];
	[bflag:$0x3] =	sbarrier.arrive $0xFFFF;
	s2 =	simm.s32 @!p0 $0x1C03  }
0x22a: {  	[timem:s3], [sflag:s2] =	dma.local @!p0 [hbm:s0], s1  }
0x22b: {  	s0 =	simm.s32 @!p0 $0x3  }
0x22c: {  	_ =	swait.ge @!p0 [sflag:s0], s1  }
0x22d: {  	s1 =	ssub.s32 @!p0 $0x0, s1;
	[sflag:s0] =	ssyncset.done @!p0 $0x0  }
0x22e: {  	[sflag:s0] =	ssyncadd.s32 @!p0 s1  }
0x22f: {  	[bflag:$0x3] =	sbarrier.arrive $0xFFFF  }
0x230: {  	_ =	shalt  }

</sc_bundles>
